<compile_context>
chip_gen: v7x
topology: tpu7x:2x2x1
jax: 0.10.2.dev20260603
libtpu: 0.0.44.dev20260713+nightly
codegen_flags: <defaults>
</compile_context>

<pallas_src>
import functools

import jax
import jax.numpy as jnp
from jax import lax
from jax.experimental import pallas as pl
from jax.experimental.pallas import tpu as pltpu
from jax.experimental.pallas import tpu_sc as plsc


def _project_body(emb_ref, w_ref, b_ref, out_ref):
    pt = lax.dot_general(
        w_ref[...],
        emb_ref[...],
        dimension_numbers=(((0,), (1,)), ((), ())),
        preferred_element_type=jnp.float32,
    )
    out_ref[...] = pt + b_ref[...]


def _project_t(emb_table, W, b):
    V = emb_table.shape[0]
    Dout = W.shape[1]
    return pl.pallas_call(
        _project_body,
        out_shape=jax.ShapeDtypeStruct((Dout, V), jnp.float32),
    )(emb_table, W, b.reshape(Dout, 1))


@functools.lru_cache(maxsize=None)
def _make_gather(V, D, Bm, Lx):
    info = plsc.get_sparse_core_info()
    NC, NS, L = info.num_cores, info.num_subcores, info.num_lanes
    NW = NC * NS
    assert Bm % NW == 0 and L == 16
    b_per_w = Bm // NW
    n_bb = b_per_w // L
    D_UNROLL = 4
    assert D % D_UNROLL == 0 and Lx % 2 == 0
    mesh = plsc.VectorSubcoreMesh(core_axis_name="c", subcore_axis_name="s")

    @functools.partial(
        pl.kernel,
        mesh=mesh,
        out_type=jax.ShapeDtypeStruct((Lx, D, Bm), jnp.float32),
        scratch_types=[
            pltpu.VMEM((D // 2 * V,), jnp.int32),
            pltpu.VMEM((b_per_w,), jnp.int32),
            pltpu.VMEM((b_per_w,), jnp.int32),
            pltpu.VMEM((D, b_per_w), jnp.float32),
            pltpu.VMEM((D, b_per_w), jnp.float32),
            pltpu.SemaphoreType.DMA,
            pltpu.SemaphoreType.DMA,
            pltpu.SemaphoreType.DMA,
            pltpu.SemaphoreType.DMA,
        ],
        compiler_params=pltpu.CompilerParams(needs_layout_passes=False),
    )
    def gather(pt_hbm, xt_hbm, out_hbm, pt_v, xv0, xv1, ob0, ob1, si0, si1, so0, so1):
        wid = lax.axis_index("s") * NC + lax.axis_index("c")
        b0 = wid * b_per_w
        xvs = (xv0, xv1)
        obs = (ob0, ob1)
        sis = (si0, si1)
        sos = (so0, so1)

        pltpu.sync_copy(pt_hbm, pt_v)
        pltpu.async_copy(xt_hbm.at[0, pl.ds(b0, b_per_w)], xv0, si0)
        pltpu.async_copy(xt_hbm.at[1, pl.ds(b0, b_per_w)], xv1, si1)

        def pair(i, carry):
            for p in range(2):
                l = 2 * i + p
                xv, ob = xvs[p], obs[p]

                pltpu.make_async_copy(
                    xt_hbm.at[0, pl.ds(0, b_per_w)], xv, sis[p]
                ).wait()

                @pl.when(l >= 2)
                def _():
                    pltpu.make_async_copy(
                        ob, out_hbm.at[0, :, pl.ds(0, b_per_w)], sos[p]
                    ).wait()

                def bb_body(bb):
                    idx = xv[pl.ds(bb * L, L)]

                    def d_body(d2, idxd):
                        w = plsc.load_gather(pt_v, [idxd])
                        lo, hi = plsc.unpack(
                            plsc.bitcast(w, jnp.bfloat16),
                            format=plsc.PackFormat.INTERLEAVED,
                            preferred_element_type=jnp.float32,
                        )
                        ob[2 * d2, pl.ds(bb * L, L)] = lo
                        ob[2 * d2 + 1, pl.ds(bb * L, L)] = hi
                        return idxd + V

                    plsc.parallel_loop(0, D // 2, unroll=D_UNROLL, carry=idx)(
                        d_body
                    )

                plsc.parallel_loop(0, n_bb, unroll=8)(bb_body)
                pltpu.async_copy(
                    ob, out_hbm.at[l, :, pl.ds(b0, b_per_w)], sos[p]
                )

                @pl.when(l + 2 < Lx)
                def _():
                    pltpu.async_copy(
                        xt_hbm.at[l + 2, pl.ds(b0, b_per_w)], xv, sis[p]
                    )
            return carry

        lax.fori_loop(0, Lx // 2, pair, 0)
        pltpu.make_async_copy(ob0, out_hbm.at[0, :, pl.ds(0, b_per_w)], so0).wait()
        pltpu.make_async_copy(ob1, out_hbm.at[0, :, pl.ds(0, b_per_w)], so1).wait()

    return gather


def kernel(x, emb_table, W, b):
    Bm, Lx = x.shape
    V = emb_table.shape[0]
    Dout = W.shape[1]
    ptf = _project_t(emb_table, W, b)
    pairs = ptf.astype(jnp.bfloat16).reshape(Dout // 2, 2, V).transpose(0, 2, 1)
    pt = lax.bitcast_convert_type(pairs, jnp.int32).reshape(-1)
    xt = jnp.transpose(x).astype(jnp.int32)
    out_t = _make_gather(V, Dout, Bm, Lx)(pt, xt)
    return jnp.transpose(out_t, (2, 0, 1))

# --- scband reference (transcript-rebuilt; emitter-appended) ---
"""Pipeline reference for scband-minimal-model-27668179321547 (READ-ONLY COPY).

The authoritative reference and input builder live on the scoring server;
editing this copy changes nothing except your own understanding.
"""

import jax, jax.numpy as jnp
import numpy as np

def setup_inputs(seed: int = 0) -> dict:
    key = jax.random.key(seed)
    k1, k2, k3, k4 = jax.random.split(key, 4)
    x = jax.random.randint(k1, (16384, 50), 0, 1000, dtype=jnp.int64 if jax.config.jax_enable_x64 else jnp.int32)
    emb_table = jax.random.normal(k2, (1000, 128), dtype=jnp.float32) * 0.02
    W = jax.random.normal(k3, (128, 64), dtype=jnp.float32) * 0.02
    b = jax.random.normal(k4, (64,), dtype=jnp.float32) * 0.02
    return {"x": x, "emb_table": emb_table, "W": W, "b": b}

def reference(x, emb_table, W, b):
    # self.linear(self.embedding(x))
    e = jnp.take(emb_table, x, axis=0)  # [B, L, 128] embedding gather
    out = jnp.dot(e, W) + b             # [B, L, 64] linear
    return out

if __name__ == "__main__":
    import jax
    _d = setup_inputs()
    print(jax.jit(kernel)(*tuple(_d.values())))

</pallas_src>

<mosaic_0001>
#map = affine_map<(d0, d1) -> (0)>
#map1 = affine_map<(d0, d1) -> (0, 0)>
#map2 = affine_map<(d0, d1) -> (0, 0, 0)>
module attributes {stable_mosaic.version = 14 : i64} {
  func.func @gather(%arg0: i32, %arg1: i32, %arg2: memref<32000xi32, #tpu.memory_space<hbm>>, %arg3: memref<50x16384xi32, #tpu.memory_space<hbm>>, %arg4: memref<50x64x16384xf32, #tpu.memory_space<hbm>>, %arg5: memref<32000xi32, #tpu.memory_space<vmem>>, %arg6: memref<512xi32, #tpu.memory_space<vmem>>, %arg7: memref<512xi32, #tpu.memory_space<vmem>>, %arg8: memref<64x512xf32, #tpu.memory_space<vmem>>, %arg9: memref<64x512xf32, #tpu.memory_space<vmem>>, %arg10: memref<!tpu.dma_semaphore, #tpu.memory_space<semaphore_mem>>, %arg11: memref<!tpu.dma_semaphore, #tpu.memory_space<semaphore_mem>>, %arg12: memref<!tpu.dma_semaphore, #tpu.memory_space<semaphore_mem>>, %arg13: memref<!tpu.dma_semaphore, #tpu.memory_space<semaphore_mem>>) attributes {dimension_semantics = [#tpu.dimension_semantics<core_parallel>, #tpu.dimension_semantics<subcore_parallel>], iteration_bounds = array<i64: 2, 16>, scalar_prefetch = 0 : i64, scratch_operands = 9 : i64, tpu.core_type = #tpu.core_type<sc_vector_subcore>, window_params = [{transform_indices = #map}, {transform_indices = #map1}, {transform_indices = #map2}]} {
    %mul3A = arith.constant 2 : i32
    %mul3A_0 = arith.muli %arg1, %mul3A : i32
    %add3A = arith.addi %mul3A_0, %arg0 : i32
    %mul3A_1 = arith.constant 512 : i32
    %mul3A_2 = arith.muli %add3A, %mul3A_1 : i32
    "tpu.region"() ({
      %run_scoped3A = tpu.sem_alloc : memref<!tpu.dma_semaphore, #tpu.memory_space<semaphore_mem>>
      tpu.enqueue_dma source(%arg2 : memref<32000xi32, #tpu.memory_space<hbm>>) target(%arg5 : memref<32000xi32, #tpu.memory_space<vmem>>) target_semaphore(%run_scoped3A : memref<!tpu.dma_semaphore, #tpu.memory_space<semaphore_mem>>)
      tpu.wait_dma2 semaphore(%run_scoped3A : memref<!tpu.dma_semaphore, #tpu.memory_space<semaphore_mem>>) src(%arg2 : memref<32000xi32, #tpu.memory_space<hbm>>) dst(%arg5 : memref<32000xi32, #tpu.memory_space<vmem>>)
      tpu.yield
    }) : () -> ()
    %dma_start3A = arith.constant 0 : i32
    %dma_start3A_3 = tpu.memref_slice %arg3[%dma_start3A, %mul3A_2] : memref<50x16384xi32, #tpu.memory_space<hbm>> -> memref<1x512xi32, #tpu.memory_space<hbm>>
    %dma_start3A_4 = tpu.memref_squeeze %dma_start3A_3 : memref<1x512xi32, #tpu.memory_space<hbm>> -> memref<512xi32, #tpu.memory_space<hbm>>
    %dma_start3A_5 = tpu.memref_slice %arg3[%dma_start3A, %mul3A_2] : memref<50x16384xi32, #tpu.memory_space<hbm>> -> memref<1x512xi32, #tpu.memory_space<hbm>>
    %dma_start3A_6 = tpu.memref_squeeze %dma_start3A_5 : memref<1x512xi32, #tpu.memory_space<hbm>> -> memref<512xi32, #tpu.memory_space<hbm>>
    tpu.enqueue_dma source(%dma_start3A_6 : memref<512xi32, #tpu.memory_space<hbm>>) target(%arg6 : memref<512xi32, #tpu.memory_space<vmem>>) target_semaphore(%arg10 : memref<!tpu.dma_semaphore, #tpu.memory_space<semaphore_mem>>)
    %dma_start3A_7 = arith.constant 1 : i32
    %dma_start3A_8 = tpu.memref_slice %arg3[%dma_start3A_7, %mul3A_2] : memref<50x16384xi32, #tpu.memory_space<hbm>> -> memref<1x512xi32, #tpu.memory_space<hbm>>
    %dma_start3A_9 = tpu.memref_squeeze %dma_start3A_8 : memref<1x512xi32, #tpu.memory_space<hbm>> -> memref<512xi32, #tpu.memory_space<hbm>>
    %dma_start3A_10 = tpu.memref_slice %arg3[%dma_start3A_7, %mul3A_2] : memref<50x16384xi32, #tpu.memory_space<hbm>> -> memref<1x512xi32, #tpu.memory_space<hbm>>
    %dma_start3A_11 = tpu.memref_squeeze %dma_start3A_10 : memref<1x512xi32, #tpu.memory_space<hbm>> -> memref<512xi32, #tpu.memory_space<hbm>>
    tpu.enqueue_dma source(%dma_start3A_11 : memref<512xi32, #tpu.memory_space<hbm>>) target(%arg7 : memref<512xi32, #tpu.memory_space<vmem>>) target_semaphore(%arg11 : memref<!tpu.dma_semaphore, #tpu.memory_space<semaphore_mem>>)
    %scan3A = arith.constant 0 : i32
    %scan3A_12 = arith.constant 0 : i32
    %scan3A_13 = arith.constant 25 : i32
    %scan3A_14 = arith.addi %scan3A_12, %scan3A_13 : i32
    %scan3A_15 = arith.constant 1 : i32
    scf.for %scan3A_34 = %scan3A_12 to %scan3A_14 step %scan3A_15  : i32 {
      %mul3A_35 = arith.constant 2 : i32
      %mul3A_36 = arith.muli %mul3A_35, %scan3A_34 : i32
      %add3A_37 = arith.constant 0 : i32
      %add3A_38 = arith.addi %mul3A_36, %add3A_37 : i32
      %dma_wait3A_39 = arith.constant 0 : i32
      %dma_wait3A_40 = arith.constant 0 : i32
      %dma_wait3A_41 = tpu.memref_slice %arg3[%dma_wait3A_39, %dma_wait3A_40] : memref<50x16384xi32, #tpu.memory_space<hbm>> -> memref<1x512xi32, #tpu.memory_space<hbm>>
      %dma_wait3A_42 = tpu.memref_squeeze %dma_wait3A_41 : memref<1x512xi32, #tpu.memory_space<hbm>> -> memref<512xi32, #tpu.memory_space<hbm>>
      %dma_wait3A_43 = arith.constant 0 : i32
      %dma_wait3A_44 = tpu.memref_slice %arg3[%dma_wait3A_39, %dma_wait3A_43] : memref<50x16384xi32, #tpu.memory_space<hbm>> -> memref<1x512xi32, #tpu.memory_space<hbm>>
      %dma_wait3A_45 = tpu.memref_squeeze %dma_wait3A_44 : memref<1x512xi32, #tpu.memory_space<hbm>> -> memref<512xi32, #tpu.memory_space<hbm>>
      tpu.wait_dma2 semaphore(%arg10 : memref<!tpu.dma_semaphore, #tpu.memory_space<semaphore_mem>>) src(%dma_wait3A_45 : memref<512xi32, #tpu.memory_space<hbm>>) dst(%arg6 : memref<512xi32, #tpu.memory_space<vmem>>)
      %ge3A = arith.constant 2 : i32
      %ge3A_46 = arith.cmpi sge, %add3A_38, %ge3A : i32
      %convert_element_type3A = arith.extui %ge3A_46 : i1 to i32
      %cond3A = arith.constant 0 : i32
      %cond3A_47 = arith.cmpi ne, %convert_element_type3A, %cond3A : i32
      scf.if %cond3A_47 {
        %dma_wait3A_94 = arith.constant 0 : i32
        %dma_wait3A_95 = arith.constant 0 : i32
        %dma_wait3A_96 = arith.constant 0 : i32
        %dma_wait3A_97 = tpu.memref_slice %arg4[%dma_wait3A_94, %dma_wait3A_95, %dma_wait3A_96] : memref<50x64x16384xf32, #tpu.memory_space<hbm>> -> memref<1x64x512xf32, #tpu.memory_space<hbm>>
        %dma_wait3A_98 = tpu.memref_squeeze %dma_wait3A_97 : memref<1x64x512xf32, #tpu.memory_space<hbm>> -> memref<64x512xf32, #tpu.memory_space<hbm>>
        %dma_wait3A_99 = arith.constant 0 : i32
        %dma_wait3A_100 = arith.constant 0 : i32
        %dma_wait3A_101 = tpu.memref_slice %arg4[%dma_wait3A_94, %dma_wait3A_99, %dma_wait3A_100] : memref<50x64x16384xf32, #tpu.memory_space<hbm>> -> memref<1x64x512xf32, #tpu.memory_space<hbm>>
        %dma_wait3A_102 = tpu.memref_squeeze %dma_wait3A_101 : memref<1x64x512xf32, #tpu.memory_space<hbm>> -> memref<64x512xf32, #tpu.memory_space<hbm>>
        tpu.wait_dma2 semaphore(%arg12 : memref<!tpu.dma_semaphore, #tpu.memory_space<semaphore_mem>>) src(%arg8 : memref<64x512xf32, #tpu.memory_space<vmem>>) dst(%dma_wait3A_102 : memref<64x512xf32, #tpu.memory_space<hbm>>)
      } else {
      }
      %parallel_loop3A = arith.constant 0 : i32
      %parallel_loop3A_48 = arith.constant 32 : i32
      %parallel_loop3A_49 = arith.constant 1 : i32
      scf.for %parallel_loop3A_94 = %parallel_loop3A to %parallel_loop3A_48 step %parallel_loop3A_49  : i32 {
        %parallel_loop3A_95 = arith.constant 16 : i32
        %parallel_loop3A_96 = arith.muli %parallel_loop3A_94, %parallel_loop3A_95 : i32
        %parallel_loop3A_97 = arith.index_cast %parallel_loop3A_96 : i32 to index
        %parallel_loop3A_98 = tpu.vector_load %arg6[%parallel_loop3A_97] {strides = array<i32>} : memref<512xi32, #tpu.memory_space<vmem>>, vector<16xi32>,
        %parallel_loop3A_99 = arith.constant 0 : i32
        %parallel_loop3A_100 = arith.constant 32 : i32
        %parallel_loop3A_101 = arith.constant 1 : i32
        %parallel_loop3A_102 = scf.for %parallel_loop3A_103 = %parallel_loop3A_99 to %parallel_loop3A_100 step %parallel_loop3A_101 iter_args(%parallel_loop3A_104 = %parallel_loop3A_98) -> (vector<16xi32>)  : i32 {
          %parallel_loop3A_105 = tpu.vector_load_idx %arg5[%parallel_loop3A_104] : memref<32000xi32, #tpu.memory_space<vmem>>[vector<16xi32>], vector<16xi32>,
          %parallel_loop3A_106 = vector.bitcast %parallel_loop3A_105 : vector<16xi32> to vector<32xbf16>
          %parallel_loop3A_107 = tpu.unpack_subelements %parallel_loop3A_106, 0 {pack_format = #tpu.pack_format<interleaved>} : vector<32xbf16> -> vector<16xf32>
          %parallel_loop3A_108 = tpu.unpack_subelements %parallel_loop3A_106, 1 {pack_format = #tpu.pack_format<interleaved>} : vector<32xbf16> -> vector<16xf32>
          %parallel_loop3A_109 = arith.constant 2 : i32
          %parallel_loop3A_110 = arith.muli %parallel_loop3A_109, %parallel_loop3A_103 : i32
          %parallel_loop3A_111 = arith.constant 16 : i32
          %parallel_loop3A_112 = arith.muli %parallel_loop3A_94, %parallel_loop3A_111 : i32
          %parallel_loop3A_113 = arith.index_cast %parallel_loop3A_110 : i32 to index
          %parallel_loop3A_114 = arith.index_cast %parallel_loop3A_112 : i32 to index
          %parallel_loop3A_115 = tpu.vector_load %arg8[%parallel_loop3A_113, %parallel_loop3A_114] {strides = array<i32>} : memref<64x512xf32, #tpu.memory_space<vmem>>, vector<16xf32>,
          tpu.vector_store %arg8[%parallel_loop3A_113, %parallel_loop3A_114], %parallel_loop3A_107 {strides = array<i32>} : memref<64x512xf32, #tpu.memory_space<vmem>>, vector<16xf32>,
          %parallel_loop3A_116 = arith.constant 2 : i32
          %parallel_loop3A_117 = arith.muli %parallel_loop3A_116, %parallel_loop3A_103 : i32
          %parallel_loop3A_118 = arith.constant 1 : i32
          %parallel_loop3A_119 = arith.addi %parallel_loop3A_117, %parallel_loop3A_118 : i32
          %parallel_loop3A_120 = arith.constant 16 : i32
          %parallel_loop3A_121 = arith.muli %parallel_loop3A_94, %parallel_loop3A_120 : i32
          %parallel_loop3A_122 = arith.index_cast %parallel_loop3A_119 : i32 to index
          %parallel_loop3A_123 = arith.index_cast %parallel_loop3A_121 : i32 to index
          %parallel_loop3A_124 = tpu.vector_load %arg8[%parallel_loop3A_122, %parallel_loop3A_123] {strides = array<i32>} : memref<64x512xf32, #tpu.memory_space<vmem>>, vector<16xf32>,
          tpu.vector_store %arg8[%parallel_loop3A_122, %parallel_loop3A_123], %parallel_loop3A_108 {strides = array<i32>} : memref<64x512xf32, #tpu.memory_space<vmem>>, vector<16xf32>,
          %parallel_loop3A_125 = arith.constant 1000 : i32
          %parallel_loop3A_126 = vector.broadcast %parallel_loop3A_125 : i32 to vector<16xi32>
          %parallel_loop3A_127 = arith.addi %parallel_loop3A_104, %parallel_loop3A_126 : vector<16xi32>
          scf.yield %parallel_loop3A_127 : vector<16xi32>
        } {sc.loop_unroll_factor = 4 : i64, sc.parallel_access}
      } {sc.loop_unroll_factor = 8 : i64, sc.parallel_access}
      %dma_start3A_50 = arith.constant 0 : i32
      %dma_start3A_51 = tpu.memref_slice %arg4[%add3A_38, %dma_start3A_50, %mul3A_2] : memref<50x64x16384xf32, #tpu.memory_space<hbm>> -> memref<1x64x512xf32, #tpu.memory_space<hbm>>
      %dma_start3A_52 = tpu.memref_squeeze %dma_start3A_51 : memref<1x64x512xf32, #tpu.memory_space<hbm>> -> memref<64x512xf32, #tpu.memory_space<hbm>>
      %dma_start3A_53 = arith.constant 0 : i32
      %dma_start3A_54 = tpu.memref_slice %arg4[%add3A_38, %dma_start3A_53, %mul3A_2] : memref<50x64x16384xf32, #tpu.memory_space<hbm>> -> memref<1x64x512xf32, #tpu.memory_space<hbm>>
      %dma_start3A_55 = tpu.memref_squeeze %dma_start3A_54 : memref<1x64x512xf32, #tpu.memory_space<hbm>> -> memref<64x512xf32, #tpu.memory_space<hbm>>
      tpu.enqueue_dma source(%arg8 : memref<64x512xf32, #tpu.memory_space<vmem>>) target(%dma_start3A_55 : memref<64x512xf32, #tpu.memory_space<hbm>>) target_semaphore(%arg12 : memref<!tpu.dma_semaphore, #tpu.memory_space<semaphore_mem>>)
      %add3A_56 = arith.constant 2 : i32
      %add3A_57 = arith.addi %add3A_38, %add3A_56 : i32
      %lt3A = arith.constant 50 : i32
      %lt3A_58 = arith.cmpi slt, %add3A_57, %lt3A : i32
      %convert_element_type3A_59 = arith.extui %lt3A_58 : i1 to i32
      %cond3A_60 = arith.constant 0 : i32
      %cond3A_61 = arith.cmpi ne, %convert_element_type3A_59, %cond3A_60 : i32
      scf.if %cond3A_61 {
        %add3A_94 = arith.constant 2 : i32
        %add3A_95 = arith.addi %add3A_38, %add3A_94 : i32
        %dma_start3A_96 = tpu.memref_slice %arg3[%add3A_95, %mul3A_2] : memref<50x16384xi32, #tpu.memory_space<hbm>> -> memref<1x512xi32, #tpu.memory_space<hbm>>
        %dma_start3A_97 = tpu.memref_squeeze %dma_start3A_96 : memref<1x512xi32, #tpu.memory_space<hbm>> -> memref<512xi32, #tpu.memory_space<hbm>>
        %dma_start3A_98 = tpu.memref_slice %arg3[%add3A_95, %mul3A_2] : memref<50x16384xi32, #tpu.memory_space<hbm>> -> memref<1x512xi32, #tpu.memory_space<hbm>>
        %dma_start3A_99 = tpu.memref_squeeze %dma_start3A_98 : memref<1x512xi32, #tpu.memory_space<hbm>> -> memref<512xi32, #tpu.memory_space<hbm>>
        tpu.enqueue_dma source(%dma_start3A_99 : memref<512xi32, #tpu.memory_space<hbm>>) target(%arg6 : memref<512xi32, #tpu.memory_space<vmem>>) target_semaphore(%arg10 : memref<!tpu.dma_semaphore, #tpu.memory_space<semaphore_mem>>)
      } else {
      }
      %mul3A_62 = arith.constant 2 : i32
      %mul3A_63 = arith.muli %mul3A_62, %scan3A_34 : i32
      %add3A_64 = arith.constant 1 : i32
      %add3A_65 = arith.addi %mul3A_63, %add3A_64 : i32
      %dma_wait3A_66 = arith.constant 0 : i32
      %dma_wait3A_67 = arith.constant 0 : i32
      %dma_wait3A_68 = tpu.memref_slice %arg3[%dma_wait3A_66, %dma_wait3A_67] : memref<50x16384xi32, #tpu.memory_space<hbm>> -> memref<1x512xi32, #tpu.memory_space<hbm>>
      %dma_wait3A_69 = tpu.memref_squeeze %dma_wait3A_68 : memref<1x512xi32, #tpu.memory_space<hbm>> -> memref<512xi32, #tpu.memory_space<hbm>>
      %dma_wait3A_70 = arith.constant 0 : i32
      %dma_wait3A_71 = tpu.memref_slice %arg3[%dma_wait3A_66, %dma_wait3A_70] : memref<50x16384xi32, #tpu.memory_space<hbm>> -> memref<1x512xi32, #tpu.memory_space<hbm>>
      %dma_wait3A_72 = tpu.memref_squeeze %dma_wait3A_71 : memref<1x512xi32, #tpu.memory_space<hbm>> -> memref<512xi32, #tpu.memory_space<hbm>>
      tpu.wait_dma2 semaphore(%arg11 : memref<!tpu.dma_semaphore, #tpu.memory_space<semaphore_mem>>) src(%dma_wait3A_72 : memref<512xi32, #tpu.memory_space<hbm>>) dst(%arg7 : memref<512xi32, #tpu.memory_space<vmem>>)
      %ge3A_73 = arith.constant 2 : i32
      %ge3A_74 = arith.cmpi sge, %add3A_65, %ge3A_73 : i32
      %convert_element_type3A_75 = arith.extui %ge3A_74 : i1 to i32
      %cond3A_76 = arith.constant 0 : i32
      %cond3A_77 = arith.cmpi ne, %convert_element_type3A_75, %cond3A_76 : i32
      scf.if %cond3A_77 {
        %dma_wait3A_94 = arith.constant 0 : i32
        %dma_wait3A_95 = arith.constant 0 : i32
        %dma_wait3A_96 = arith.constant 0 : i32
        %dma_wait3A_97 = tpu.memref_slice %arg4[%dma_wait3A_94, %dma_wait3A_95, %dma_wait3A_96] : memref<50x64x16384xf32, #tpu.memory_space<hbm>> -> memref<1x64x512xf32, #tpu.memory_space<hbm>>
        %dma_wait3A_98 = tpu.memref_squeeze %dma_wait3A_97 : memref<1x64x512xf32, #tpu.memory_space<hbm>> -> memref<64x512xf32, #tpu.memory_space<hbm>>
        %dma_wait3A_99 = arith.constant 0 : i32
        %dma_wait3A_100 = arith.constant 0 : i32
        %dma_wait3A_101 = tpu.memref_slice %arg4[%dma_wait3A_94, %dma_wait3A_99, %dma_wait3A_100] : memref<50x64x16384xf32, #tpu.memory_space<hbm>> -> memref<1x64x512xf32, #tpu.memory_space<hbm>>
        %dma_wait3A_102 = tpu.memref_squeeze %dma_wait3A_101 : memref<1x64x512xf32, #tpu.memory_space<hbm>> -> memref<64x512xf32, #tpu.memory_space<hbm>>
        tpu.wait_dma2 semaphore(%arg13 : memref<!tpu.dma_semaphore, #tpu.memory_space<semaphore_mem>>) src(%arg9 : memref<64x512xf32, #tpu.memory_space<vmem>>) dst(%dma_wait3A_102 : memref<64x512xf32, #tpu.memory_space<hbm>>)
      } else {
      }
      %parallel_loop3A_78 = arith.constant 0 : i32
      %parallel_loop3A_79 = arith.constant 32 : i32
      %parallel_loop3A_80 = arith.constant 1 : i32
      scf.for %parallel_loop3A_94 = %parallel_loop3A_78 to %parallel_loop3A_79 step %parallel_loop3A_80  : i32 {
        %parallel_loop3A_95 = arith.constant 16 : i32
        %parallel_loop3A_96 = arith.muli %parallel_loop3A_94, %parallel_loop3A_95 : i32
        %parallel_loop3A_97 = arith.index_cast %parallel_loop3A_96 : i32 to index
        %parallel_loop3A_98 = tpu.vector_load %arg7[%parallel_loop3A_97] {strides = array<i32>} : memref<512xi32, #tpu.memory_space<vmem>>, vector<16xi32>,
        %parallel_loop3A_99 = arith.constant 0 : i32
        %parallel_loop3A_100 = arith.constant 32 : i32
        %parallel_loop3A_101 = arith.constant 1 : i32
        %parallel_loop3A_102 = scf.for %parallel_loop3A_103 = %parallel_loop3A_99 to %parallel_loop3A_100 step %parallel_loop3A_101 iter_args(%parallel_loop3A_104 = %parallel_loop3A_98) -> (vector<16xi32>)  : i32 {
          %parallel_loop3A_105 = tpu.vector_load_idx %arg5[%parallel_loop3A_104] : memref<32000xi32, #tpu.memory_space<vmem>>[vector<16xi32>], vector<16xi32>,
          %parallel_loop3A_106 = vector.bitcast %parallel_loop3A_105 : vector<16xi32> to vector<32xbf16>
          %parallel_loop3A_107 = tpu.unpack_subelements %parallel_loop3A_106, 0 {pack_format = #tpu.pack_format<interleaved>} : vector<32xbf16> -> vector<16xf32>
          %parallel_loop3A_108 = tpu.unpack_subelements %parallel_loop3A_106, 1 {pack_format = #tpu.pack_format<interleaved>} : vector<32xbf16> -> vector<16xf32>
          %parallel_loop3A_109 = arith.constant 2 : i32
          %parallel_loop3A_110 = arith.muli %parallel_loop3A_109, %parallel_loop3A_103 : i32
          %parallel_loop3A_111 = arith.constant 16 : i32
          %parallel_loop3A_112 = arith.muli %parallel_loop3A_94, %parallel_loop3A_111 : i32
          %parallel_loop3A_113 = arith.index_cast %parallel_loop3A_110 : i32 to index
          %parallel_loop3A_114 = arith.index_cast %parallel_loop3A_112 : i32 to index
          %parallel_loop3A_115 = tpu.vector_load %arg9[%parallel_loop3A_113, %parallel_loop3A_114] {strides = array<i32>} : memref<64x512xf32, #tpu.memory_space<vmem>>, vector<16xf32>,
          tpu.vector_store %arg9[%parallel_loop3A_113, %parallel_loop3A_114], %parallel_loop3A_107 {strides = array<i32>} : memref<64x512xf32, #tpu.memory_space<vmem>>, vector<16xf32>,
          %parallel_loop3A_116 = arith.constant 2 : i32
          %parallel_loop3A_117 = arith.muli %parallel_loop3A_116, %parallel_loop3A_103 : i32
          %parallel_loop3A_118 = arith.constant 1 : i32
          %parallel_loop3A_119 = arith.addi %parallel_loop3A_117, %parallel_loop3A_118 : i32
          %parallel_loop3A_120 = arith.constant 16 : i32
          %parallel_loop3A_121 = arith.muli %parallel_loop3A_94, %parallel_loop3A_120 : i32
          %parallel_loop3A_122 = arith.index_cast %parallel_loop3A_119 : i32 to index
          %parallel_loop3A_123 = arith.index_cast %parallel_loop3A_121 : i32 to index
          %parallel_loop3A_124 = tpu.vector_load %arg9[%parallel_loop3A_122, %parallel_loop3A_123] {strides = array<i32>} : memref<64x512xf32, #tpu.memory_space<vmem>>, vector<16xf32>,
          tpu.vector_store %arg9[%parallel_loop3A_122, %parallel_loop3A_123], %parallel_loop3A_108 {strides = array<i32>} : memref<64x512xf32, #tpu.memory_space<vmem>>, vector<16xf32>,
          %parallel_loop3A_125 = arith.constant 1000 : i32
          %parallel_loop3A_126 = vector.broadcast %parallel_loop3A_125 : i32 to vector<16xi32>
          %parallel_loop3A_127 = arith.addi %parallel_loop3A_104, %parallel_loop3A_126 : vector<16xi32>
          scf.yield %parallel_loop3A_127 : vector<16xi32>
        } {sc.loop_unroll_factor = 4 : i64, sc.parallel_access}
      } {sc.loop_unroll_factor = 8 : i64, sc.parallel_access}
      %dma_start3A_81 = arith.constant 0 : i32
      %dma_start3A_82 = tpu.memref_slice %arg4[%add3A_65, %dma_start3A_81, %mul3A_2] : memref<50x64x16384xf32, #tpu.memory_space<hbm>> -> memref<1x64x512xf32, #tpu.memory_space<hbm>>
      %dma_start3A_83 = tpu.memref_squeeze %dma_start3A_82 : memref<1x64x512xf32, #tpu.memory_space<hbm>> -> memref<64x512xf32, #tpu.memory_space<hbm>>
      %dma_start3A_84 = arith.constant 0 : i32
      %dma_start3A_85 = tpu.memref_slice %arg4[%add3A_65, %dma_start3A_84, %mul3A_2] : memref<50x64x16384xf32, #tpu.memory_space<hbm>> -> memref<1x64x512xf32, #tpu.memory_space<hbm>>
      %dma_start3A_86 = tpu.memref_squeeze %dma_start3A_85 : memref<1x64x512xf32, #tpu.memory_space<hbm>> -> memref<64x512xf32, #tpu.memory_space<hbm>>
      tpu.enqueue_dma source(%arg9 : memref<64x512xf32, #tpu.memory_space<vmem>>) target(%dma_start3A_86 : memref<64x512xf32, #tpu.memory_space<hbm>>) target_semaphore(%arg13 : memref<!tpu.dma_semaphore, #tpu.memory_space<semaphore_mem>>)
      %add3A_87 = arith.constant 2 : i32
      %add3A_88 = arith.addi %add3A_65, %add3A_87 : i32
      %lt3A_89 = arith.constant 50 : i32
      %lt3A_90 = arith.cmpi slt, %add3A_88, %lt3A_89 : i32
      %convert_element_type3A_91 = arith.extui %lt3A_90 : i1 to i32
      %cond3A_92 = arith.constant 0 : i32
      %cond3A_93 = arith.cmpi ne, %convert_element_type3A_91, %cond3A_92 : i32
      scf.if %cond3A_93 {
        %add3A_94 = arith.constant 2 : i32
        %add3A_95 = arith.addi %add3A_65, %add3A_94 : i32
        %dma_start3A_96 = tpu.memref_slice %arg3[%add3A_95, %mul3A_2] : memref<50x16384xi32, #tpu.memory_space<hbm>> -> memref<1x512xi32, #tpu.memory_space<hbm>>
        %dma_start3A_97 = tpu.memref_squeeze %dma_start3A_96 : memref<1x512xi32, #tpu.memory_space<hbm>> -> memref<512xi32, #tpu.memory_space<hbm>>
        %dma_start3A_98 = tpu.memref_slice %arg3[%add3A_95, %mul3A_2] : memref<50x16384xi32, #tpu.memory_space<hbm>> -> memref<1x512xi32, #tpu.memory_space<hbm>>
        %dma_start3A_99 = tpu.memref_squeeze %dma_start3A_98 : memref<1x512xi32, #tpu.memory_space<hbm>> -> memref<512xi32, #tpu.memory_space<hbm>>
        tpu.enqueue_dma source(%dma_start3A_99 : memref<512xi32, #tpu.memory_space<hbm>>) target(%arg7 : memref<512xi32, #tpu.memory_space<vmem>>) target_semaphore(%arg11 : memref<!tpu.dma_semaphore, #tpu.memory_space<semaphore_mem>>)
      } else {
      }
    }
    %scan3A_16 = arith.constant 25 : i32
    %dma_wait3A = arith.constant 0 : i32
    %dma_wait3A_17 = arith.constant 0 : i32
    %dma_wait3A_18 = arith.constant 0 : i32
    %dma_wait3A_19 = tpu.memref_slice %arg4[%dma_wait3A, %dma_wait3A_17, %dma_wait3A_18] : memref<50x64x16384xf32, #tpu.memory_space<hbm>> -> memref<1x64x512xf32, #tpu.memory_space<hbm>>
    %dma_wait3A_20 = tpu.memref_squeeze %dma_wait3A_19 : memref<1x64x512xf32, #tpu.memory_space<hbm>> -> memref<64x512xf32, #tpu.memory_space<hbm>>
    %dma_wait3A_21 = arith.constant 0 : i32
    %dma_wait3A_22 = arith.constant 0 : i32
    %dma_wait3A_23 = tpu.memref_slice %arg4[%dma_wait3A, %dma_wait3A_21, %dma_wait3A_22] : memref<50x64x16384xf32, #tpu.memory_space<hbm>> -> memref<1x64x512xf32, #tpu.memory_space<hbm>>
    %dma_wait3A_24 = tpu.memref_squeeze %dma_wait3A_23 : memref<1x64x512xf32, #tpu.memory_space<hbm>> -> memref<64x512xf32, #tpu.memory_space<hbm>>
    tpu.wait_dma2 semaphore(%arg12 : memref<!tpu.dma_semaphore, #tpu.memory_space<semaphore_mem>>) src(%arg8 : memref<64x512xf32, #tpu.memory_space<vmem>>) dst(%dma_wait3A_24 : memref<64x512xf32, #tpu.memory_space<hbm>>)
    %dma_wait3A_25 = arith.constant 0 : i32
    %dma_wait3A_26 = arith.constant 0 : i32
    %dma_wait3A_27 = arith.constant 0 : i32
    %dma_wait3A_28 = tpu.memref_slice %arg4[%dma_wait3A_25, %dma_wait3A_26, %dma_wait3A_27] : memref<50x64x16384xf32, #tpu.memory_space<hbm>> -> memref<1x64x512xf32, #tpu.memory_space<hbm>>
    %dma_wait3A_29 = tpu.memref_squeeze %dma_wait3A_28 : memref<1x64x512xf32, #tpu.memory_space<hbm>> -> memref<64x512xf32, #tpu.memory_space<hbm>>
    %dma_wait3A_30 = arith.constant 0 : i32
    %dma_wait3A_31 = arith.constant 0 : i32
    %dma_wait3A_32 = tpu.memref_slice %arg4[%dma_wait3A_25, %dma_wait3A_30, %dma_wait3A_31] : memref<50x64x16384xf32, #tpu.memory_space<hbm>> -> memref<1x64x512xf32, #tpu.memory_space<hbm>>
    %dma_wait3A_33 = tpu.memref_squeeze %dma_wait3A_32 : memref<1x64x512xf32, #tpu.memory_space<hbm>> -> memref<64x512xf32, #tpu.memory_space<hbm>>
    tpu.wait_dma2 semaphore(%arg13 : memref<!tpu.dma_semaphore, #tpu.memory_space<semaphore_mem>>) src(%arg9 : memref<64x512xf32, #tpu.memory_space<vmem>>) dst(%dma_wait3A_33 : memref<64x512xf32, #tpu.memory_space<hbm>>)
    return
  }
}

module attributes {stable_mosaic.version = 14 : i64} {
  func.func @_project_body(%arg0: memref<1000x128xf32, #tpu.memory_space<vmem>>, %arg1: memref<128x64xf32, #tpu.memory_space<vmem>>, %arg2: memref<64x1xf32, #tpu.memory_space<vmem>>, %arg3: memref<64x1000xf32, #tpu.memory_space<vmem>>) attributes {dimension_semantics = [], scalar_prefetch = 0 : i64, scratch_operands = 0 : i64, tpu.core_type = #tpu.core_type<tc>} {
    %get3A = arith.constant 0 : index
    %get3A_0 = arith.constant 0 : index
    %get3A_1 = vector.load %arg1[%get3A, %get3A_0] : memref<128x64xf32, #tpu.memory_space<vmem>>, vector<128x64xf32>
    %get3A_2 = arith.constant 0 : index
    %get3A_3 = arith.constant 0 : index
    %get3A_4 = vector.load %arg0[%get3A_2, %get3A_3] : memref<1000x128xf32, #tpu.memory_space<vmem>>, vector<1000x128xf32>
    %dot_general3A = arith.constant dense<0.000000e+00> : vector<64x1000xf32>
    %dot_general3A_5 = tpu.matmul %get3A_1, %get3A_4, %dot_general3A {dimension_numbers = #tpu.dot_dimension_numbers<[0], [1], [1], [0], [0, 1, 1, 0], [], []>, transpose_lhs_hint = false} : vector<128x64xf32>, vector<1000x128xf32>, vector<64x1000xf32> -> vector<64x1000xf32>
    %get3A_6 = arith.constant 0 : index
    %get3A_7 = arith.constant 0 : index
    %get3A_8 = vector.load %arg2[%get3A_6, %get3A_7] : memref<64x1xf32, #tpu.memory_space<vmem>>, vector<64x1xf32>
    %add3A = vector.broadcast %get3A_8 : vector<64x1xf32> to vector<64x1000xf32>
    %add3A_9 = arith.addf %dot_general3A_5, %add3A : vector<64x1000xf32>
    %swap3A = arith.constant 0 : index
    %swap3A_10 = arith.constant 0 : index
    %swap3A_11 = vector.load %arg3[%swap3A, %swap3A_10] : memref<64x1000xf32, #tpu.memory_space<vmem>>, vector<64x1000xf32>
    tpu.vector_store %arg3[%swap3A, %swap3A_10], %add3A_9 {strides = array<i32>} : memref<64x1000xf32, #tpu.memory_space<vmem>>, vector<64x1000xf32>,
    return
  }
}

</mosaic_0001>

<sc_bundles>
// kernel: kernel.4.cloned.1.call-start
scs
__scs_entry_jumppad:
0x0: {  	(pc) =	sbr.rel $0x88, $3  }
0x1: {  	(tag) =	ssettag $0x0;
	lr =	simm.s32 $0x1  }
0x2: {  	[smem:$0x3F9D] =	sst lr;
	_ =	strace $0xD0000000  }
0x3: {  	_ = 	snop  }
0x4: {  	_ = 	snop  }
0x5: {  	_ = 	snop  }
0x6: {  	_ = 	snop  }
0x7: {  	_ = 	snop  }
__scs_overlays_trampoline_lowered:
0x8: {  	[smem:$0x3FAC] =	sst s0  }
0x9: {  	[smem:$0x3FAD] =	sst s1  }
0xa: {  	[smem:$0x3FAE] =	sst s2  }
0xb: {  	[smem:$0x3FAF] =	sst s3  }
0xc: {  	[smem:$0x3FB0] =	sst s4  }
0xd: {  	[smem:$0x3FB1] =	sst s5  }
0xe: {  	[smem:$0x3FB2] =	sst s6  }
0xf: {  	[smem:$0x3FB3] =	sst s7  }
0x10: {  	[smem:$0x3FB4] =	sst s8  }
0x11: {  	[smem:$0x3FB5] =	sst s9;
	s0 =	simm.s32 @!p0 $0x0  }
0x12: {  	s1 =	sld [smem:$0x3F9B];
	s0 =	simm.s32 @p0 $0x1  }
0x13: {  	[smem:$0x3FB6] =	sst s0;
	s0 =	simm.s32 @!p1 $0x0  }
0x14: {  	s2 =	sld [smem:$0x3F9A];
	s0 =	simm.s32 @p1 $0x1  }
0x15: {  	[smem:$0x3FB7] =	sst s0;
	s0 =	simm.s32 @!p2 $0x0  }
0x16: {  	s3 =	sld [smem:$0x3FDB];
	s0 =	simm.s32 @p2 $0x1  }
0x17: {  	s4 =	simm.s32 $0x1BF5;
	[smem:$0x3FB9] =	sst s0  }
0x18: {  	s0 =	sld [smem:$0x3F9C];
	_ =	swait.ge [sflag:s4], $0x0  }
0x19: {  	s7 =	sld [smem:$0x3F9D]  }
0x1a: {  	s8 =	sadd.s32 $0xFFFFE003, lr  }
0x1b: {  	s9 =	sadd.s32 $0xFFFFFEF7, lr;
	s5 =	simm.s32 $0xFFFFFFFF;
	p2 =	slt.u32 s8, $0xFFFFF086  }
0x1c: {  	p1 =	slt.u32 s9, $0xF7A;
	s5 =	simm.s32 @!p2 $0x0  }
0x1d: {  	s5 =	simm.s32 @p1 $0x1;
	p0 =	seq.s32 s7, s2  }
0x1e: {  	s7 =	smul.u32 @!p0 $0xF7A, s2;
	p2 =	seq.s32 @!p0 s5, $0x0  }
0x1f: {  	s9 =	smul.u32 $0xF7A, s1;
	s8 =	simm.s32 @!p0 $0x1BF5;
	p2 =	por !p2, p0  }
0x20: {  	[sflag:s8] =	ssyncset.s32 @!p0 $0xFFFFF086;
	s6 =	sadd.s32 @!p0 s3, s7;
	s7 =	simm.s32 @!p0 $0x108  }
0x21: {  	s3 =	sadd.s32 s3, s9;
	s6 =	sadd.s32 @!p0 $0x88, s6;
	s7 =	simm.s32 @p2 $0x1082  }
0x22: {  	[simem:s7], [sflag:s8] =	dma.local @!p0 [hbm:s6], $0xF7A  }
0x23: {  	s9 =	sor.u32 $0xD0000000, s2;
	s6 =	simm.s32 $0x108;
	_ =	swait.ge @!p0 [sflag:s8], $0x0  }
0x24: {  	s3 =	sadd.s32 $0x88, s3;
	s6 =	simm.s32 @!p1 $0x1082;
	[sflag:s4] =	ssyncset.s32 $0xFFFFF086  }
0x25: {  	[simem:s6], [sflag:s4] =	dma.local [hbm:s3], $0xF7A  }
0x26: {  	[smem:$0x3F9D] =	sst s1;
	(tag) =	ssettag s2;
	_ =	strace s9  }
0x27: {  	s1 =	sld [smem:$0x3FAD]  }
0x28: {  	s2 =	sld [smem:$0x3FAE]  }
0x29: {  	s4 =	sld [smem:$0x3FB0]  }
0x2a: {  	p0 =	seq.s32 s5, $0x0;
	s5 =	sld [smem:$0x3FB1]  }
0x2b: {  	s6 =	sld [smem:$0x3FB2]  }
0x2c: {  	s7 =	sld [smem:$0x3FB3]  }
0x2d: {  	s3 =	simm.s32 $0x108;
	s8 =	sld [smem:$0x3FB4]  }
0x2e: {  	s3 =	simm.s32 @!p0 $0x1082;
	s9 =	sld [smem:$0x3FB5]  }
0x2f: {  	lr =	sadd.s32 s0, s3;
	s0 =	sld [smem:$0x3FAC]  }
0x30: {  	s3 =	sld [smem:$0x3FAF]  }
0x31: {  	[smem:$0x3FB8] =	sst s10  }
0x32: {  	s10 =	sld [smem:$0x3FB6];
	_ =	sdelay $0x3  }
0x33: {  	p0 =	seq.s32 s10, $0x1;
	s10 =	sld [smem:$0x3FB8];
	_ =	sdelay $0x3  }
0x34: {  	[smem:$0x3FB8] =	sst s10  }
0x35: {  	s10 =	sld [smem:$0x3FB7];
	_ =	sdelay $0x3  }
0x36: {  	p1 =	seq.s32 s10, $0x1;
	s10 =	sld [smem:$0x3FB8];
	_ =	sdelay $0x3  }
0x37: {  	[smem:$0x3FB8] =	sst s10  }
0x38: {  	s10 =	sld [smem:$0x3FB9]  }
0x39: {  	_ = 	snop;
	(pc) =	sbr.ind lr, $3  }
0x3a: {  	_ = 	snop  }
0x3b: {  	_ = 	snop  }
0x3c: {  	p2 =	seq.s32 s10, $0x1;
	s10 =	sld [smem:$0x3FB8]  }
0x3d: {  	_ =	shalt  }
0x3e: {  	_ =	shalt  }
0x3f: {  	_ =	shalt  }
0x40: {  	_ =	shalt  }
0x41: {  	_ =	shalt  }
0x42: {  	_ =	shalt  }
0x43: {  	_ =	shalt  }
0x44: {  	_ =	shalt  }
0x45: {  	_ =	shalt  }
0x46: {  	_ =	shalt  }
0x47: {  	_ =	shalt  }
0x48: {  	_ =	shalt  }
0x49: {  	_ =	shalt  }
0x4a: {  	_ =	shalt  }
0x4b: {  	_ =	shalt  }
0x4c: {  	_ =	shalt  }
0x4d: {  	_ =	shalt  }
0x4e: {  	_ =	shalt  }
0x4f: {  	_ =	shalt  }
0x50: {  	_ =	shalt  }
0x51: {  	_ =	shalt  }
0x52: {  	_ =	shalt  }
0x53: {  	_ =	shalt  }
0x54: {  	_ =	shalt  }
0x55: {  	_ =	shalt  }
0x56: {  	_ =	shalt  }
0x57: {  	_ =	shalt  }
0x58: {  	_ =	shalt  }
0x59: {  	_ =	shalt  }
0x5a: {  	_ =	shalt  }
0x5b: {  	_ =	shalt  }
0x5c: {  	_ =	shalt  }
0x5d: {  	_ =	shalt  }
0x5e: {  	_ =	shalt  }
0x5f: {  	_ =	shalt  }
0x60: {  	_ =	shalt  }
0x61: {  	_ =	shalt  }
0x62: {  	_ =	shalt  }
0x63: {  	_ =	shalt  }
0x64: {  	_ =	shalt  }
0x65: {  	_ =	shalt  }
0x66: {  	_ =	shalt  }
0x67: {  	_ =	shalt  }
0x68: {  	_ =	shalt  }
0x69: {  	_ =	shalt  }
0x6a: {  	_ =	shalt  }
0x6b: {  	_ =	shalt  }
0x6c: {  	_ =	shalt  }
0x6d: {  	_ =	shalt  }
0x6e: {  	_ =	shalt  }
0x6f: {  	_ =	shalt  }
0x70: {  	_ =	shalt  }
0x71: {  	_ =	shalt  }
0x72: {  	_ =	shalt  }
0x73: {  	_ =	shalt  }
0x74: {  	_ =	shalt  }
0x75: {  	_ =	shalt  }
0x76: {  	_ =	shalt  }
0x77: {  	_ =	shalt  }
0x78: {  	_ =	shalt  }
0x79: {  	_ =	shalt  }
0x7a: {  	_ =	shalt  }
0x7b: {  	_ =	shalt  }
0x7c: {  	_ =	shalt  }
0x7d: {  	_ =	shalt  }
0x7e: {  	_ =	shalt  }
0x7f: {  	_ =	shalt  }
0x80: {  	_ =	shalt  }
0x81: {  	_ =	shalt  }
0x82: {  	_ =	shalt  }
0x83: {  	_ =	shalt  }
0x84: {  	_ =	shalt  }
0x85: {  	_ =	shalt  }
0x86: {  	_ =	shalt  }
0x87: {  	_ =	shalt  }
.Lfunc_end0:
.L_simem_size_0:
called_computation_lowered:
.L_overlay_start_0:
0x88: {  	s2 =	sld [smem:$0x3FD9]  }
0x89: {  	s3 =	sld [smem:$0x3FFE];
	_ =	sdelay $0x1  }
0x8a: {  	s1 =	srdreg.scid  }
0x8b: {  	s0 =	sand.u32 $0x1, s1  }
0x8c: {  	s17 =	sshll.u32 s0, $0xA;
	s2 =	sadd.s32 s3, s2  }
0x8d: {  	s2 =	sadd.s32 s2, s17  }
0x8e: {  	[smem:$0x3FC4] =	sst s2  }
0x8f: {  	_ = 	snop  }
0x90: {  	s2 =	sld [smem:$0x3FC9]  }
0x91: {  	s18 =	sld [smem:$0x3FD0];
	(tm) =	ssettm $0x1  }
0x92: {  	s4 =	sld [smem:$0x3FFB];
	_ =	sdelay $0x3  }
0x93: {  	_ =	strace s4  }
0x94: {  	s4 =	sld [smem:$0x3FFC];
	_ =	sdelay $0x3  }
0x95: {  	_ =	strace s4  }
0x96: {  	s4 =	sld [smem:$0x3FFD];
	_ =	sdelay $0x3  }
0x97: {  	_ =	strace s4  }
0x98: {  	_ =	strace $0x8FFFFFFF  }
0x99: {  	s19 =	sld [smem:$0x3FDB];
	_ =	sdelay $0x1  }
0x9a: {  	s5 =	simm.s32 $_scs_section_size  }
0x9b: {  	s6 =	simm.s32 $_size__tile_overlayer_lowered;
	s7 =	simm.s32 $_tile_overlayer_lowered  }
0x9c: {  	s22 =	simm.s32 $0x1BFF;
	s21 =	sshll.u32 s7, $0x1;
	s4 =	sadd.s32 s5, s19  }
0x9d: {  	s8 =	simm.s32 $0x0;
	s20 =	sshll.u32 s6, $0x1;
	s6 =	sadd.s32 s21, s4  }
0x9e: {  	[timem:s8], [sflag:s22] =	dma.local [hbm:s6], s20  }
0x9f: {  	_ =	swait.ge [sflag:s22], s20  }
0xa0: {  	s5 =	ssub.s32 $0x0, s20;
	[sflag:s22] =	ssyncset.done $0x0  }
0xa1: {  	[sflag:s22] =	ssyncadd.s32 s5;
	_ =	sdelay $0x1  }
0xa2: {  	s23 =	simm.s32 $0x1B8B  }
0xa3: {  	_ =	swait.ge [sflag:s23], $0x1  }
0xa4: {  	[sflag:s23] =	ssyncset.done $0x0  }
0xa5: {  	s25 =	simm.s32 $0x1B8E;
	s24 =	sld [smem:$0x3FFE];
	[sflag:s23] =	ssyncadd.s32 $0xFFFFFFFF  }
0xa6: {  	s26 =	simm.s32 $execute0_lowered;
	[smem:$0x3FD2] =	sst s25  }
0xa7: {  	s6 =	sshll.u32 s26, $0x1;
	_ =	strace $0x80000046;
	[dreg:$0x1] =	wrdreg $0xFFFFFFFF  }
0xa8: {  	s28 =	simm.s32 $_size_execute0_lowered;
	s4 =	sadd.s32 s4, s6;
	[dreg:$0x0] =	wrdreg $0x0  }
0xa9: {  	s6 =	sshll.u32 s28, $0x1;
	[dreg:$0x2] =	wrdreg s4  }
0xaa: {  	[dreg:$0x3] =	wrdreg s6  }
0xab: {  	[dreg:$0x4] =	wrdreg $0xC0  }
0xac: {  	_ =	task [dreg:s8], $0x5FFFF  }
0xad: {  	[dreg:$0x1] =	wrdreg $0xFFFFFFFF  }
0xae: {  	[dreg:$0x0] =	wrdreg $0x60  }
0xaf: {  	[dreg:$0x2] =	wrdreg s24  }
0xb0: {  	[dreg:$0x3] =	wrdreg s2  }
0xb1: {  	[dreg:$0x4] =	wrdreg s18  }
0xb2: {  	[dreg:$0x5] =	wrdreg $0x9  }
0xb3: {  	_ =	task.clear_ibuf [dreg:s8], $0x6FFFF;
	_ =	strace $0x90000046  }
0xb4: {  	s29 =	simm.s32 $0x9;
	_ =	strace $0x80000048  }
0xb5: {  	_ =	swait.ge [sflag:s29], $0x1  }
0xb6: {  	[sflag:s29] =	ssyncadd.s32 $0xFFFFFFFF  }
0xb7: {  	_ =	strace $0x90000048  }
0xb8: {  	_ =	sfence  }
0xb9: {  	s30 =	sld [smem:$0x0];
	_ =	sdelay $0x2  }
0xba: {  	s31 =	sshll.u32 s1, $0xD;
	s1 =	sshrl.u32 s1, $0x2  }
0xbb: {  	s3 =	sand.u32 $0x4000, s31;
	s1 =	sadd.s32 s1, s30  }
0xbc: {  	s0 =	sor.u32 s3, s0;
	s1 =	sshll.u32 s1, $0x11  }
0xbd: {  	s0 =	sor.u32 s1, s0  }
0xbe: {  	s0 =	sadd.s32 $0x8F2B, s0  }
0xbf: {  	[sflag:s0] =	ssyncadd.remote.s32 $0x1  }
0xc0: {  	_ =	sfence.sel $0xFFFF  }
0xc1: {  	[dreg:$0x0] =	wrdreg $0xFFFFFFFF;
	(pc) =	sbr.abs _section_cstart, $3  }
0xc2: {  	[dreg:$0x1] =	wrdreg $0xFFFFFFFF  }
0xc3: {  	_ =	task.clear_ibuf [dreg:s8], $0x2FFFF;
	_ =	strace $0x9FFFFFFF  }
0xc4: {  	(tm) =	ssettm $0x7FFFFFFF  }
0xc5: {  	_ =	shalt  }
tec
execute0_lowered:
.L_overlay_start_1:
0x0: {  	(tag) =	ssettag $0x1  }
0x1: {  	s0 =	rddreg [dreg:$0x0]  }
0x2: {  	s2 =	rddreg [dreg:$0x1]  }
0x3: {  	s3 =	rddreg [dreg:$0x2]  }
0x4: {  	s1 =	srdreg.scid;
	s5 =	stileid.u32  }
0x5: {  	s4 =	simm.s32 $0x0;
	s12 =	simm.s32 $0x80;
	s13 =	simm.s32 $0x400  }
0x6: {  	s14 =	simm.s32 $0x7D00;
	s15 =	simm.s32 $0x7F00;
	s16 =	simm.s32 $0x1  }
0x7: {  	s17 =	simm.s32 $0x1000;
	s18 =	simm.s32 $0x20000;
	s19 =	simm.s32 $0x8100  }
0x8: {  	s20 =	simm.s32 $0x2;
	s1 =	sand.u32 $0x1, s1;
	s5 =	sshll.u32 s5, $0xD  }
0x9: {  	[smem:$0x7FF] =	sst s4;
	s0 =	sadd.s32 $0x200, s0;
	s6 =	sshll.u32 s1, $0xC  }
0xa: {  	_ =	strace $0x80000047;
	s1 =	ssub.s32 $0x2, s1;
	s5 =	sor.u32 s6, s5  }
.Ltmp0:
0xb: {  	s30 =	sshrl.u32 s1, $0x1;
	s6 =	sshrl.u32 s5, $0x3;
	(pc) =	sbr.rel .LBB2_1-.Ltmp0, $4  }
0xc: {  	[dreg:$0x4] =	wrdreg s0;
	s0 =	ssub.s32 s1, s30;
	s6 =	sadd.s32 s2, s6  }
0xd: {  	s21 =	simm.s32 $0x4;
	s0 =	smax.u32 s0, $0x1;
	[dreg:$0x5] =	wrdreg s6  }
0xe: {  	s22 =	simm.s32 $0x10100;
	s31 =	sadd.s32 $0x10, s6;
	[dreg:$0x7] =	wrdreg s0  }
0xf: {  	s9 =	sadd.s32 $0x20000, s3;
	s1 =	simm.s32 $0x0;
	[dreg:$0x6] =	wrdreg s31  }
.LBB2_44:
0x10: {  	s0 =	simm.s32 $0x3  }
0x11: {  	_ =	swait.ge [sflag:s0], $0x8000  }
0x12: {  	[sflag:s0] =	ssyncset.done $0x0  }
0x13: {  	[sflag:s0] =	ssyncadd.s32 $0xFFFF8000  }
0x14: {  	_ =	swait.ge [sflag:s21], $0x8000  }
0x15: {  	s1 =	rddreg [dreg:$0x8]  }
0x16: {  	s31 =	rddreg [dreg:$0x7];
	s1 =	sadd.s32 $0x1, s1  }
0x17: {  	p0 =	sne.s32 s1, s31  }
.Ltmp1:
0x18: {  	_ = 	snop;
	(pc) =	sbr.rel @!p0 .LBB2_45-.Ltmp1, $3  }
0x19: {  	_ =	sdelay $0x1  }
0x1a: {  	[sflag:s21] =	ssyncset.done $0x0  }
0x1b: {  	[sflag:s21] =	ssyncadd.s32 $0xFFFF8000  }
.LBB2_1:
0x1c: {  	[dreg:$0x8] =	wrdreg s1  }
0x1d: {  	s0 =	rddreg [dreg:$0x4];
	s29 =	simm.s32 $0x5  }
0x1e: {  	[tilespmem:s4], [sflag:$0x5] =	stream.linear.gather [hbm4b:s0+s4], $0x7D00, $0x38;
	[tilespmem:$0x18100] =	vst v63  }
0x1f: {  	_ =	swait.ge [sflag:s29], $0x7D00  }
0x20: {  	[sflag:s29] =	ssyncset.done $0x0  }
0x21: {  	s30 =	rddreg [dreg:$0x5];
	[sflag:s29] =	ssyncadd.s32 $0xFFFF8300  }
0x22: {  	[tilespmem:s14], [sflag:$0x1] =	stream.strided.gather [hbm4b:s30+s12], $0x200, s13, s12, $0x38;
	[tilespmem:$0x18100] =	vst v63  }
0x23: {  	s25 =	simm.s32 $0x0;
	s31 =	rddreg [dreg:$0x6]  }
0x24: {  	[tilespmem:s15], [sflag:$0x2] =	stream.strided.gather [hbm4b:s31+s12], $0x200, s13, s12, $0x38;
	[tilespmem:$0x18100] =	vst v63  }
.LBB2_2:
0x25: {  	_ =	swait.ge [sflag:s16], $0x200;
	p0 =	seq.s32 s25, $0x0;
	s26 =	sshll.u32 s25, $0x1  }
0x26: {  	s10 =	simm.s32 $0x0;
	s28 =	simm.s32 $0x8300;
	[sflag:s16] =	ssyncset.done $0x0  }
0x27: {  	s29 =	simm.s32 $0x8310;
	s0 =	simm.s32 @!p0 $0x3;
	[sflag:s16] =	ssyncadd.s32 $0xFFFFFE00  }
0x28: {  	s30 =	simm.s32 $0x8320;
	s31 =	simm.s32 $0x8330;
	_ =	swait.ge @!p0 [sflag:s0], $0x8000  }
0x29: {  	s1 =	simm.s32 $0x8350;
	s6 =	simm.s32 $0x8360;
	[sflag:s0] =	ssyncset.done @!p0 $0x0  }
0x2a: {  	s8 =	simm.s32 $0x8370;
	[sflag:s0] =	ssyncadd.s32 @!p0 $0xFFFF8000;
	s0 =	simm.s32 $0x8340  }
.LBB2_3:
0x2b: {  	s7 =	sshll.u32 s10, $0x4  }
0x2c: {  	s7 =	sand.u32 $0x3FFFFFF0, s7  }
0x2d: {  	v0 =	vld [tilespmem:s7+$0x7D00];
	_ =	sdelay $0x4  }
0x2e: {  	v1 =	vadd.s32 $0xBB8, v0  }
0x2f: {  	v2 =	vadd.s32 $0x3E8, v0  }
0x30: {  	v3 =	vadd.s32 $0x7D0, v0;
	_ =	sdelay $0x2  }
0x31: {  	v6 =	vld.idx.msk [tilespmem:v1+s4+$0x0], $0xffff  }
0x32: {  	v9 =	vadd.s32 $0xFA0, v0;
	v1 =	vld.idx.msk [tilespmem:v2+s4+$0x0], $0xffff  }
0x33: {  	v5 =	vadd.s32 $0x3E8, v9;
	v3 =	vld.idx.msk [tilespmem:v3+s4+$0x0], $0xffff  }
0x34: {  	v4 =	vld.idx.msk [tilespmem:v0+s4+$0x0], $0xffff;
	v2 =	vadd.s32 $0xBB8, v9  }
0x35: {  	v10 =	vadd.s32 $0x7D0, v9  }
0x36: {  	v7 =	vunpack.i.u.bf16.f32 v6  }
0x37: {  	v0 =	vld.idx.msk [tilespmem:v9+s4+$0x0], $0xffff;
	v8 =	vunpack.i.l.bf16.f32 v1;
	[tilespmem:s28+$0x180] =	vst v7  }
0x38: {  	v5 =	vld.idx.msk [tilespmem:v5+s4+$0x0], $0xffff;
	v11 =	vunpack.i.l.bf16.f32 v3;
	[tilespmem:s28+$0xFFFFFF00] =	vst v8  }
0x39: {  	v7 =	vunpack.i.u.bf16.f32 v1;
	v1 =	vld.idx.msk [tilespmem:v2+s4+$0x0], $0xffff;
	v2 =	vunpack.i.u.bf16.f32 v4;
	v4 =	vunpack.i.l.bf16.f32 v4;
	[tilespmem:s28+$0x0] =	vst v11  }
0x3a: {  	s23 =	simm.s32 $0x4;
	s11 =	smov.u32 s28;
	v8 =	vunpack.i.u.bf16.f32 v3;
	v3 =	vld.idx.msk [tilespmem:v10+s4+$0x0], $0xffff;
	[tilespmem:s28+$0xFFFFFF80] =	vst v7;
	v7 =	vunpack.i.l.bf16.f32 v6;
	v6 =	vadd.s32 $0xFA0, v9  }
.LBB2_4:
0x3b: {  	v9 =	vadd.s32 $0x3E8, v6;
	v10 =	vadd.s32 $0x7D0, v6;
	v11 =	vadd.s32 $0xBB8, v6;
	s23 =	sadd.s32 $0x4, s23;
	[tilespmem:s11+$0x80] =	vst v8  }
0x3c: {  	p1 =	slt.u32 s23, $0x1C;
	[tilespmem:s11+$0x100] =	vst v7  }
0x3d: {  	v8 =	vunpack.i.u.bf16.f32 v0;
	[tilespmem:s11+$0xFFFFFE00] =	vst v4;
	v4 =	vunpack.i.l.bf16.f32 v0  }
.Ltmp2:
0x3e: {  	v12 =	vunpack.i.u.bf16.f32 v1;
	v7 =	vunpack.i.l.bf16.f32 v1;
	[tilespmem:s11+$0xFFFFFE80] =	vst v2;
	s11 =	sadd.s32 $0x1000, s11;
	v2 =	vmov v8;
	(pc) =	sbr.rel @p1 .LBB2_4-.Ltmp2, $4  }
0x3f: {  	v13 =	vunpack.i.u.bf16.f32 v5;
	v5 =	vunpack.i.l.bf16.f32 v5;
	v0 =	vld.idx.msk [tilespmem:v6+s4+$0x0], $0xffff;
	[tilespmem:s11+$0x180] =	vst v12  }
0x40: {  	v8 =	vunpack.i.u.bf16.f32 v3;
	v1 =	vld.idx.msk [tilespmem:v11+s4+$0x0], $0xffff;
	[tilespmem:s11+$0xFFFFFF00] =	vst v5;
	v11 =	vunpack.i.l.bf16.f32 v3  }
0x41: {  	v5 =	vld.idx.msk [tilespmem:v9+s4+$0x0], $0xffff;
	[tilespmem:s11+$0xFFFFFF80] =	vst v13  }
0x42: {  	v6 =	vadd.s32 $0xFA0, v6;
	v3 =	vld.idx.msk [tilespmem:v10+s4+$0x0], $0xffff;
	[tilespmem:s11+$0x0] =	vst v11  }
0x43: {  	v6 =	vld [tilespmem:s7+$0x7D10];
	_ =	sdelay $0x3  }
0x44: {  	[tilespmem:s11+$0x80] =	vst v8  }
0x45: {  	[tilespmem:s11+$0x100] =	vst v7;
	v7 =	vadd.s32 $0xBB8, v6  }
0x46: {  	[tilespmem:s11+$0xFFFFFE00] =	vst v4;
	v4 =	vadd.s32 $0x3E8, v6  }
0x47: {  	[tilespmem:s11+$0xFFFFFE80] =	vst v2;
	s24 =	sadd.s32 $0x1000, s11;
	v8 =	vunpack.i.u.bf16.f32 v1  }
0x48: {  	v1 =	vunpack.i.l.bf16.f32 v1;
	[tilespmem:s24+$0x180] =	vst v8;
	v8 =	vadd.s32 $0x7D0, v6  }
0x49: {  	v2 =	vunpack.i.l.bf16.f32 v5;
	[tilespmem:s24+$0x100] =	vst v1  }
0x4a: {  	[tilespmem:s24+$0xFFFFFF00] =	vst v2;
	v2 =	vunpack.i.l.bf16.f32 v3;
	v7 =	vld.idx.msk [tilespmem:v7+s4+$0x0], $0xffff  }
0x4b: {  	v3 =	vunpack.i.u.bf16.f32 v3;
	[tilespmem:s24+$0x0] =	vst v2;
	v9 =	vadd.s32 $0xFA0, v6;
	v2 =	vld.idx.msk [tilespmem:v4+s4+$0x0], $0xffff  }
0x4c: {  	v5 =	vunpack.i.u.bf16.f32 v5;
	[tilespmem:s24+$0x80] =	vst v3;
	v3 =	vld.idx.msk [tilespmem:v6+s4+$0x0], $0xffff;
	v4 =	vadd.s32 $0xBB8, v9  }
0x4d: {  	[tilespmem:s24+$0xFFFFFF80] =	vst v5;
	v5 =	vunpack.i.l.bf16.f32 v0;
	v6 =	vld.idx.msk [tilespmem:v8+s4+$0x0], $0xffff;
	v8 =	vadd.s32 $0x3E8, v9  }
0x4e: {  	v0 =	vunpack.i.u.bf16.f32 v0;
	[tilespmem:s24+$0xFFFFFE00] =	vst v5;
	v10 =	vadd.s32 $0x7D0, v9  }
0x4f: {  	[tilespmem:s24+$0xFFFFFE80] =	vst v0;
	v1 =	vunpack.i.u.bf16.f32 v7  }
0x50: {  	v0 =	vld.idx.msk [tilespmem:v9+s4+$0x0], $0xffff;
	v5 =	vunpack.i.l.bf16.f32 v2;
	[tilespmem:s29+$0x180] =	vst v1  }
0x51: {  	v11 =	vunpack.i.u.bf16.f32 v2;
	v1 =	vld.idx.msk [tilespmem:v4+s4+$0x0], $0xffff;
	[tilespmem:s29+$0xFFFFFF00] =	vst v5  }
0x52: {  	v2 =	vunpack.i.u.bf16.f32 v3;
	v12 =	vunpack.i.l.bf16.f32 v6;
	v7 =	vunpack.i.l.bf16.f32 v7;
	v5 =	vld.idx.msk [tilespmem:v8+s4+$0x0], $0xffff;
	[tilespmem:s29+$0xFFFFFF80] =	vst v11  }
0x53: {  	s23 =	simm.s32 $0x4;
	s11 =	smov.u32 s29;
	v4 =	vunpack.i.l.bf16.f32 v3;
	v8 =	vunpack.i.u.bf16.f32 v6;
	v3 =	vld.idx.msk [tilespmem:v10+s4+$0x0], $0xffff;
	v6 =	vadd.s32 $0xFA0, v9;
	[tilespmem:s29+$0x0] =	vst v12  }
.LBB2_6:
0x54: {  	v9 =	vadd.s32 $0x3E8, v6;
	v10 =	vadd.s32 $0x7D0, v6;
	v11 =	vadd.s32 $0xBB8, v6;
	s23 =	sadd.s32 $0x4, s23;
	[tilespmem:s11+$0x80] =	vst v8  }
0x55: {  	p1 =	slt.u32 s23, $0x1C;
	[tilespmem:s11+$0x100] =	vst v7  }
0x56: {  	v8 =	vunpack.i.u.bf16.f32 v0;
	[tilespmem:s11+$0xFFFFFE00] =	vst v4;
	v4 =	vunpack.i.l.bf16.f32 v0  }
.Ltmp3:
0x57: {  	v12 =	vunpack.i.u.bf16.f32 v1;
	v7 =	vunpack.i.l.bf16.f32 v1;
	[tilespmem:s11+$0xFFFFFE80] =	vst v2;
	s11 =	sadd.s32 $0x1000, s11;
	v2 =	vmov v8;
	(pc) =	sbr.rel @p1 .LBB2_6-.Ltmp3, $4  }
0x58: {  	v13 =	vunpack.i.u.bf16.f32 v5;
	v5 =	vunpack.i.l.bf16.f32 v5;
	v0 =	vld.idx.msk [tilespmem:v6+s4+$0x0], $0xffff;
	[tilespmem:s11+$0x180] =	vst v12  }
0x59: {  	v8 =	vunpack.i.u.bf16.f32 v3;
	v1 =	vld.idx.msk [tilespmem:v11+s4+$0x0], $0xffff;
	[tilespmem:s11+$0xFFFFFF00] =	vst v5;
	v11 =	vunpack.i.l.bf16.f32 v3  }
0x5a: {  	v5 =	vld.idx.msk [tilespmem:v9+s4+$0x0], $0xffff;
	[tilespmem:s11+$0xFFFFFF80] =	vst v13  }
0x5b: {  	v6 =	vadd.s32 $0xFA0, v6;
	v3 =	vld.idx.msk [tilespmem:v10+s4+$0x0], $0xffff;
	[tilespmem:s11+$0x0] =	vst v11  }
0x5c: {  	v6 =	vld [tilespmem:s7+$0x7D20];
	_ =	sdelay $0x3  }
0x5d: {  	[tilespmem:s11+$0x80] =	vst v8  }
0x5e: {  	[tilespmem:s11+$0x100] =	vst v7;
	v7 =	vadd.s32 $0xBB8, v6  }
0x5f: {  	[tilespmem:s11+$0xFFFFFE00] =	vst v4;
	v4 =	vadd.s32 $0x3E8, v6  }
0x60: {  	[tilespmem:s11+$0xFFFFFE80] =	vst v2;
	s24 =	sadd.s32 $0x1000, s11;
	v8 =	vunpack.i.u.bf16.f32 v1  }
0x61: {  	v1 =	vunpack.i.l.bf16.f32 v1;
	[tilespmem:s24+$0x180] =	vst v8;
	v8 =	vadd.s32 $0x7D0, v6  }
0x62: {  	v2 =	vunpack.i.l.bf16.f32 v5;
	[tilespmem:s24+$0x100] =	vst v1  }
0x63: {  	[tilespmem:s24+$0xFFFFFF00] =	vst v2;
	v2 =	vunpack.i.l.bf16.f32 v3;
	v7 =	vld.idx.msk [tilespmem:v7+s4+$0x0], $0xffff  }
0x64: {  	v3 =	vunpack.i.u.bf16.f32 v3;
	[tilespmem:s24+$0x0] =	vst v2;
	v9 =	vadd.s32 $0xFA0, v6;
	v2 =	vld.idx.msk [tilespmem:v4+s4+$0x0], $0xffff  }
0x65: {  	v5 =	vunpack.i.u.bf16.f32 v5;
	[tilespmem:s24+$0x80] =	vst v3;
	v3 =	vld.idx.msk [tilespmem:v6+s4+$0x0], $0xffff;
	v4 =	vadd.s32 $0xBB8, v9  }
0x66: {  	[tilespmem:s24+$0xFFFFFF80] =	vst v5;
	v5 =	vunpack.i.l.bf16.f32 v0;
	v6 =	vld.idx.msk [tilespmem:v8+s4+$0x0], $0xffff;
	v8 =	vadd.s32 $0x3E8, v9  }
0x67: {  	v0 =	vunpack.i.u.bf16.f32 v0;
	[tilespmem:s24+$0xFFFFFE00] =	vst v5;
	v10 =	vadd.s32 $0x7D0, v9  }
0x68: {  	[tilespmem:s24+$0xFFFFFE80] =	vst v0;
	v1 =	vunpack.i.u.bf16.f32 v7  }
0x69: {  	v0 =	vld.idx.msk [tilespmem:v9+s4+$0x0], $0xffff;
	v5 =	vunpack.i.l.bf16.f32 v2;
	[tilespmem:s30+$0x180] =	vst v1  }
0x6a: {  	v11 =	vunpack.i.u.bf16.f32 v2;
	v1 =	vld.idx.msk [tilespmem:v4+s4+$0x0], $0xffff;
	[tilespmem:s30+$0xFFFFFF00] =	vst v5  }
0x6b: {  	v2 =	vunpack.i.u.bf16.f32 v3;
	v12 =	vunpack.i.l.bf16.f32 v6;
	v7 =	vunpack.i.l.bf16.f32 v7;
	v5 =	vld.idx.msk [tilespmem:v8+s4+$0x0], $0xffff;
	[tilespmem:s30+$0xFFFFFF80] =	vst v11  }
0x6c: {  	s23 =	simm.s32 $0x4;
	s11 =	smov.u32 s30;
	v4 =	vunpack.i.l.bf16.f32 v3;
	v8 =	vunpack.i.u.bf16.f32 v6;
	v3 =	vld.idx.msk [tilespmem:v10+s4+$0x0], $0xffff;
	v6 =	vadd.s32 $0xFA0, v9;
	[tilespmem:s30+$0x0] =	vst v12  }
.LBB2_8:
0x6d: {  	v9 =	vadd.s32 $0x3E8, v6;
	v10 =	vadd.s32 $0x7D0, v6;
	v11 =	vadd.s32 $0xBB8, v6;
	s23 =	sadd.s32 $0x4, s23;
	[tilespmem:s11+$0x80] =	vst v8  }
0x6e: {  	p1 =	slt.u32 s23, $0x1C;
	[tilespmem:s11+$0x100] =	vst v7  }
0x6f: {  	v8 =	vunpack.i.u.bf16.f32 v0;
	[tilespmem:s11+$0xFFFFFE00] =	vst v4;
	v4 =	vunpack.i.l.bf16.f32 v0  }
.Ltmp4:
0x70: {  	v12 =	vunpack.i.u.bf16.f32 v1;
	v7 =	vunpack.i.l.bf16.f32 v1;
	[tilespmem:s11+$0xFFFFFE80] =	vst v2;
	s11 =	sadd.s32 $0x1000, s11;
	v2 =	vmov v8;
	(pc) =	sbr.rel @p1 .LBB2_8-.Ltmp4, $4  }
0x71: {  	v13 =	vunpack.i.u.bf16.f32 v5;
	v5 =	vunpack.i.l.bf16.f32 v5;
	v0 =	vld.idx.msk [tilespmem:v6+s4+$0x0], $0xffff;
	[tilespmem:s11+$0x180] =	vst v12  }
0x72: {  	v8 =	vunpack.i.u.bf16.f32 v3;
	v1 =	vld.idx.msk [tilespmem:v11+s4+$0x0], $0xffff;
	[tilespmem:s11+$0xFFFFFF00] =	vst v5;
	v11 =	vunpack.i.l.bf16.f32 v3  }
0x73: {  	v5 =	vld.idx.msk [tilespmem:v9+s4+$0x0], $0xffff;
	[tilespmem:s11+$0xFFFFFF80] =	vst v13  }
0x74: {  	v6 =	vadd.s32 $0xFA0, v6;
	v3 =	vld.idx.msk [tilespmem:v10+s4+$0x0], $0xffff;
	[tilespmem:s11+$0x0] =	vst v11  }
0x75: {  	v6 =	vld [tilespmem:s7+$0x7D30];
	_ =	sdelay $0x3  }
0x76: {  	[tilespmem:s11+$0x80] =	vst v8  }
0x77: {  	[tilespmem:s11+$0x100] =	vst v7;
	v7 =	vadd.s32 $0xBB8, v6  }
0x78: {  	[tilespmem:s11+$0xFFFFFE00] =	vst v4;
	v4 =	vadd.s32 $0x3E8, v6  }
0x79: {  	[tilespmem:s11+$0xFFFFFE80] =	vst v2;
	s24 =	sadd.s32 $0x1000, s11;
	v8 =	vunpack.i.u.bf16.f32 v1  }
0x7a: {  	v1 =	vunpack.i.l.bf16.f32 v1;
	[tilespmem:s24+$0x180] =	vst v8;
	v8 =	vadd.s32 $0x7D0, v6  }
0x7b: {  	v2 =	vunpack.i.l.bf16.f32 v5;
	[tilespmem:s24+$0x100] =	vst v1  }
0x7c: {  	[tilespmem:s24+$0xFFFFFF00] =	vst v2;
	v2 =	vunpack.i.l.bf16.f32 v3;
	v7 =	vld.idx.msk [tilespmem:v7+s4+$0x0], $0xffff  }
0x7d: {  	v3 =	vunpack.i.u.bf16.f32 v3;
	[tilespmem:s24+$0x0] =	vst v2;
	v9 =	vadd.s32 $0xFA0, v6;
	v2 =	vld.idx.msk [tilespmem:v4+s4+$0x0], $0xffff  }
0x7e: {  	v5 =	vunpack.i.u.bf16.f32 v5;
	[tilespmem:s24+$0x80] =	vst v3;
	v3 =	vld.idx.msk [tilespmem:v6+s4+$0x0], $0xffff;
	v4 =	vadd.s32 $0xBB8, v9  }
0x7f: {  	[tilespmem:s24+$0xFFFFFF80] =	vst v5;
	v5 =	vunpack.i.l.bf16.f32 v0;
	v6 =	vld.idx.msk [tilespmem:v8+s4+$0x0], $0xffff;
	v8 =	vadd.s32 $0x3E8, v9  }
0x80: {  	v0 =	vunpack.i.u.bf16.f32 v0;
	[tilespmem:s24+$0xFFFFFE00] =	vst v5;
	v10 =	vadd.s32 $0x7D0, v9  }
0x81: {  	[tilespmem:s24+$0xFFFFFE80] =	vst v0;
	v1 =	vunpack.i.u.bf16.f32 v7  }
0x82: {  	v0 =	vld.idx.msk [tilespmem:v9+s4+$0x0], $0xffff;
	v5 =	vunpack.i.l.bf16.f32 v2;
	[tilespmem:s31+$0x180] =	vst v1  }
0x83: {  	v11 =	vunpack.i.u.bf16.f32 v2;
	v1 =	vld.idx.msk [tilespmem:v4+s4+$0x0], $0xffff;
	[tilespmem:s31+$0xFFFFFF00] =	vst v5  }
0x84: {  	v2 =	vunpack.i.u.bf16.f32 v3;
	v12 =	vunpack.i.l.bf16.f32 v6;
	v7 =	vunpack.i.l.bf16.f32 v7;
	v5 =	vld.idx.msk [tilespmem:v8+s4+$0x0], $0xffff;
	[tilespmem:s31+$0xFFFFFF80] =	vst v11  }
0x85: {  	s23 =	simm.s32 $0x4;
	s11 =	smov.u32 s31;
	v4 =	vunpack.i.l.bf16.f32 v3;
	v8 =	vunpack.i.u.bf16.f32 v6;
	v3 =	vld.idx.msk [tilespmem:v10+s4+$0x0], $0xffff;
	v6 =	vadd.s32 $0xFA0, v9;
	[tilespmem:s31+$0x0] =	vst v12  }
.LBB2_10:
0x86: {  	v9 =	vadd.s32 $0x3E8, v6;
	v10 =	vadd.s32 $0x7D0, v6;
	v11 =	vadd.s32 $0xBB8, v6;
	s23 =	sadd.s32 $0x4, s23;
	[tilespmem:s11+$0x80] =	vst v8  }
0x87: {  	p1 =	slt.u32 s23, $0x1C;
	[tilespmem:s11+$0x100] =	vst v7  }
0x88: {  	v8 =	vunpack.i.u.bf16.f32 v0;
	[tilespmem:s11+$0xFFFFFE00] =	vst v4;
	v4 =	vunpack.i.l.bf16.f32 v0  }
.Ltmp5:
0x89: {  	v12 =	vunpack.i.u.bf16.f32 v1;
	v7 =	vunpack.i.l.bf16.f32 v1;
	[tilespmem:s11+$0xFFFFFE80] =	vst v2;
	s11 =	sadd.s32 $0x1000, s11;
	v2 =	vmov v8;
	(pc) =	sbr.rel @p1 .LBB2_10-.Ltmp5, $4  }
0x8a: {  	v13 =	vunpack.i.u.bf16.f32 v5;
	v5 =	vunpack.i.l.bf16.f32 v5;
	v0 =	vld.idx.msk [tilespmem:v6+s4+$0x0], $0xffff;
	[tilespmem:s11+$0x180] =	vst v12  }
0x8b: {  	v8 =	vunpack.i.u.bf16.f32 v3;
	v1 =	vld.idx.msk [tilespmem:v11+s4+$0x0], $0xffff;
	[tilespmem:s11+$0xFFFFFF00] =	vst v5;
	v11 =	vunpack.i.l.bf16.f32 v3  }
0x8c: {  	v5 =	vld.idx.msk [tilespmem:v9+s4+$0x0], $0xffff;
	[tilespmem:s11+$0xFFFFFF80] =	vst v13  }
0x8d: {  	v6 =	vadd.s32 $0xFA0, v6;
	v3 =	vld.idx.msk [tilespmem:v10+s4+$0x0], $0xffff;
	[tilespmem:s11+$0x0] =	vst v11  }
0x8e: {  	v6 =	vld [tilespmem:s7+$0x7D40];
	_ =	sdelay $0x3  }
0x8f: {  	[tilespmem:s11+$0x80] =	vst v8  }
0x90: {  	[tilespmem:s11+$0x100] =	vst v7;
	v7 =	vadd.s32 $0xBB8, v6  }
0x91: {  	[tilespmem:s11+$0xFFFFFE00] =	vst v4;
	v4 =	vadd.s32 $0x3E8, v6  }
0x92: {  	[tilespmem:s11+$0xFFFFFE80] =	vst v2;
	s24 =	sadd.s32 $0x1000, s11;
	v8 =	vunpack.i.u.bf16.f32 v1  }
0x93: {  	v1 =	vunpack.i.l.bf16.f32 v1;
	[tilespmem:s24+$0x180] =	vst v8;
	v8 =	vadd.s32 $0x7D0, v6  }
0x94: {  	v2 =	vunpack.i.l.bf16.f32 v5;
	[tilespmem:s24+$0x100] =	vst v1  }
0x95: {  	[tilespmem:s24+$0xFFFFFF00] =	vst v2;
	v2 =	vunpack.i.l.bf16.f32 v3;
	v7 =	vld.idx.msk [tilespmem:v7+s4+$0x0], $0xffff  }
0x96: {  	v3 =	vunpack.i.u.bf16.f32 v3;
	[tilespmem:s24+$0x0] =	vst v2;
	v9 =	vadd.s32 $0xFA0, v6;
	v2 =	vld.idx.msk [tilespmem:v4+s4+$0x0], $0xffff  }
0x97: {  	v5 =	vunpack.i.u.bf16.f32 v5;
	[tilespmem:s24+$0x80] =	vst v3;
	v3 =	vld.idx.msk [tilespmem:v6+s4+$0x0], $0xffff;
	v4 =	vadd.s32 $0xBB8, v9  }
0x98: {  	[tilespmem:s24+$0xFFFFFF80] =	vst v5;
	v5 =	vunpack.i.l.bf16.f32 v0;
	v6 =	vld.idx.msk [tilespmem:v8+s4+$0x0], $0xffff;
	v8 =	vadd.s32 $0x3E8, v9  }
0x99: {  	v0 =	vunpack.i.u.bf16.f32 v0;
	[tilespmem:s24+$0xFFFFFE00] =	vst v5;
	v10 =	vadd.s32 $0x7D0, v9  }
0x9a: {  	[tilespmem:s24+$0xFFFFFE80] =	vst v0;
	v1 =	vunpack.i.u.bf16.f32 v7  }
0x9b: {  	v0 =	vld.idx.msk [tilespmem:v9+s4+$0x0], $0xffff;
	v5 =	vunpack.i.l.bf16.f32 v2;
	[tilespmem:s0+$0x180] =	vst v1  }
0x9c: {  	v11 =	vunpack.i.u.bf16.f32 v2;
	v1 =	vld.idx.msk [tilespmem:v4+s4+$0x0], $0xffff;
	[tilespmem:s0+$0xFFFFFF00] =	vst v5  }
0x9d: {  	v2 =	vunpack.i.u.bf16.f32 v3;
	v12 =	vunpack.i.l.bf16.f32 v6;
	v7 =	vunpack.i.l.bf16.f32 v7;
	v5 =	vld.idx.msk [tilespmem:v8+s4+$0x0], $0xffff;
	[tilespmem:s0+$0xFFFFFF80] =	vst v11  }
0x9e: {  	s23 =	simm.s32 $0x4;
	s11 =	smov.u32 s0;
	v4 =	vunpack.i.l.bf16.f32 v3;
	v8 =	vunpack.i.u.bf16.f32 v6;
	v3 =	vld.idx.msk [tilespmem:v10+s4+$0x0], $0xffff;
	v6 =	vadd.s32 $0xFA0, v9;
	[tilespmem:s0+$0x0] =	vst v12  }
.LBB2_12:
0x9f: {  	v9 =	vadd.s32 $0x3E8, v6;
	v10 =	vadd.s32 $0x7D0, v6;
	v11 =	vadd.s32 $0xBB8, v6;
	s23 =	sadd.s32 $0x4, s23;
	[tilespmem:s11+$0x80] =	vst v8  }
0xa0: {  	p1 =	slt.u32 s23, $0x1C;
	[tilespmem:s11+$0x100] =	vst v7  }
0xa1: {  	v8 =	vunpack.i.u.bf16.f32 v0;
	[tilespmem:s11+$0xFFFFFE00] =	vst v4;
	v4 =	vunpack.i.l.bf16.f32 v0  }
.Ltmp6:
0xa2: {  	v12 =	vunpack.i.u.bf16.f32 v1;
	v7 =	vunpack.i.l.bf16.f32 v1;
	[tilespmem:s11+$0xFFFFFE80] =	vst v2;
	s11 =	sadd.s32 $0x1000, s11;
	v2 =	vmov v8;
	(pc) =	sbr.rel @p1 .LBB2_12-.Ltmp6, $4  }
0xa3: {  	v13 =	vunpack.i.u.bf16.f32 v5;
	v5 =	vunpack.i.l.bf16.f32 v5;
	v0 =	vld.idx.msk [tilespmem:v6+s4+$0x0], $0xffff;
	[tilespmem:s11+$0x180] =	vst v12  }
0xa4: {  	v8 =	vunpack.i.u.bf16.f32 v3;
	v1 =	vld.idx.msk [tilespmem:v11+s4+$0x0], $0xffff;
	[tilespmem:s11+$0xFFFFFF00] =	vst v5;
	v11 =	vunpack.i.l.bf16.f32 v3  }
0xa5: {  	v5 =	vld.idx.msk [tilespmem:v9+s4+$0x0], $0xffff;
	[tilespmem:s11+$0xFFFFFF80] =	vst v13  }
0xa6: {  	v6 =	vadd.s32 $0xFA0, v6;
	v3 =	vld.idx.msk [tilespmem:v10+s4+$0x0], $0xffff;
	[tilespmem:s11+$0x0] =	vst v11  }
0xa7: {  	v6 =	vld [tilespmem:s7+$0x7D50];
	_ =	sdelay $0x3  }
0xa8: {  	[tilespmem:s11+$0x80] =	vst v8  }
0xa9: {  	[tilespmem:s11+$0x100] =	vst v7;
	v7 =	vadd.s32 $0xBB8, v6  }
0xaa: {  	[tilespmem:s11+$0xFFFFFE00] =	vst v4;
	v4 =	vadd.s32 $0x3E8, v6  }
0xab: {  	[tilespmem:s11+$0xFFFFFE80] =	vst v2;
	s24 =	sadd.s32 $0x1000, s11;
	v8 =	vunpack.i.u.bf16.f32 v1  }
0xac: {  	v1 =	vunpack.i.l.bf16.f32 v1;
	[tilespmem:s24+$0x180] =	vst v8;
	v8 =	vadd.s32 $0x7D0, v6  }
0xad: {  	v2 =	vunpack.i.l.bf16.f32 v5;
	[tilespmem:s24+$0x100] =	vst v1  }
0xae: {  	[tilespmem:s24+$0xFFFFFF00] =	vst v2;
	v2 =	vunpack.i.l.bf16.f32 v3;
	v7 =	vld.idx.msk [tilespmem:v7+s4+$0x0], $0xffff  }
0xaf: {  	v3 =	vunpack.i.u.bf16.f32 v3;
	[tilespmem:s24+$0x0] =	vst v2;
	v9 =	vadd.s32 $0xFA0, v6;
	v2 =	vld.idx.msk [tilespmem:v4+s4+$0x0], $0xffff  }
0xb0: {  	v5 =	vunpack.i.u.bf16.f32 v5;
	[tilespmem:s24+$0x80] =	vst v3;
	v3 =	vld.idx.msk [tilespmem:v6+s4+$0x0], $0xffff;
	v4 =	vadd.s32 $0xBB8, v9  }
0xb1: {  	[tilespmem:s24+$0xFFFFFF80] =	vst v5;
	v5 =	vunpack.i.l.bf16.f32 v0;
	v6 =	vld.idx.msk [tilespmem:v8+s4+$0x0], $0xffff;
	v8 =	vadd.s32 $0x3E8, v9  }
0xb2: {  	v0 =	vunpack.i.u.bf16.f32 v0;
	[tilespmem:s24+$0xFFFFFE00] =	vst v5;
	v10 =	vadd.s32 $0x7D0, v9  }
0xb3: {  	[tilespmem:s24+$0xFFFFFE80] =	vst v0;
	v1 =	vunpack.i.u.bf16.f32 v7  }
0xb4: {  	v0 =	vld.idx.msk [tilespmem:v9+s4+$0x0], $0xffff;
	v5 =	vunpack.i.l.bf16.f32 v2;
	[tilespmem:s1+$0x180] =	vst v1  }
0xb5: {  	v11 =	vunpack.i.u.bf16.f32 v2;
	v1 =	vld.idx.msk [tilespmem:v4+s4+$0x0], $0xffff;
	[tilespmem:s1+$0xFFFFFF00] =	vst v5  }
0xb6: {  	v2 =	vunpack.i.u.bf16.f32 v3;
	v12 =	vunpack.i.l.bf16.f32 v6;
	v7 =	vunpack.i.l.bf16.f32 v7;
	v5 =	vld.idx.msk [tilespmem:v8+s4+$0x0], $0xffff;
	[tilespmem:s1+$0xFFFFFF80] =	vst v11  }
0xb7: {  	s23 =	simm.s32 $0x4;
	s11 =	smov.u32 s1;
	v4 =	vunpack.i.l.bf16.f32 v3;
	v8 =	vunpack.i.u.bf16.f32 v6;
	v3 =	vld.idx.msk [tilespmem:v10+s4+$0x0], $0xffff;
	v6 =	vadd.s32 $0xFA0, v9;
	[tilespmem:s1+$0x0] =	vst v12  }
.LBB2_14:
0xb8: {  	v9 =	vadd.s32 $0x3E8, v6;
	v10 =	vadd.s32 $0x7D0, v6;
	v11 =	vadd.s32 $0xBB8, v6;
	s23 =	sadd.s32 $0x4, s23;
	[tilespmem:s11+$0x80] =	vst v8  }
0xb9: {  	p1 =	slt.u32 s23, $0x1C;
	[tilespmem:s11+$0x100] =	vst v7  }
0xba: {  	v8 =	vunpack.i.u.bf16.f32 v0;
	[tilespmem:s11+$0xFFFFFE00] =	vst v4;
	v4 =	vunpack.i.l.bf16.f32 v0  }
.Ltmp7:
0xbb: {  	v12 =	vunpack.i.u.bf16.f32 v1;
	v7 =	vunpack.i.l.bf16.f32 v1;
	[tilespmem:s11+$0xFFFFFE80] =	vst v2;
	s11 =	sadd.s32 $0x1000, s11;
	v2 =	vmov v8;
	(pc) =	sbr.rel @p1 .LBB2_14-.Ltmp7, $4  }
0xbc: {  	v13 =	vunpack.i.u.bf16.f32 v5;
	v5 =	vunpack.i.l.bf16.f32 v5;
	v0 =	vld.idx.msk [tilespmem:v6+s4+$0x0], $0xffff;
	[tilespmem:s11+$0x180] =	vst v12  }
0xbd: {  	v8 =	vunpack.i.u.bf16.f32 v3;
	v1 =	vld.idx.msk [tilespmem:v11+s4+$0x0], $0xffff;
	[tilespmem:s11+$0xFFFFFF00] =	vst v5;
	v11 =	vunpack.i.l.bf16.f32 v3  }
0xbe: {  	v5 =	vld.idx.msk [tilespmem:v9+s4+$0x0], $0xffff;
	[tilespmem:s11+$0xFFFFFF80] =	vst v13  }
0xbf: {  	v6 =	vadd.s32 $0xFA0, v6;
	v3 =	vld.idx.msk [tilespmem:v10+s4+$0x0], $0xffff;
	[tilespmem:s11+$0x0] =	vst v11  }
0xc0: {  	v6 =	vld [tilespmem:s7+$0x7D60];
	_ =	sdelay $0x3  }
0xc1: {  	[tilespmem:s11+$0x80] =	vst v8  }
0xc2: {  	[tilespmem:s11+$0x100] =	vst v7;
	v7 =	vadd.s32 $0xBB8, v6  }
0xc3: {  	[tilespmem:s11+$0xFFFFFE00] =	vst v4;
	v4 =	vadd.s32 $0x3E8, v6  }
0xc4: {  	[tilespmem:s11+$0xFFFFFE80] =	vst v2;
	s24 =	sadd.s32 $0x1000, s11;
	v8 =	vunpack.i.u.bf16.f32 v1  }
0xc5: {  	v1 =	vunpack.i.l.bf16.f32 v1;
	[tilespmem:s24+$0x180] =	vst v8;
	v8 =	vadd.s32 $0x7D0, v6  }
0xc6: {  	v2 =	vunpack.i.l.bf16.f32 v5;
	[tilespmem:s24+$0x100] =	vst v1  }
0xc7: {  	[tilespmem:s24+$0xFFFFFF00] =	vst v2;
	v2 =	vunpack.i.l.bf16.f32 v3;
	v7 =	vld.idx.msk [tilespmem:v7+s4+$0x0], $0xffff  }
0xc8: {  	v3 =	vunpack.i.u.bf16.f32 v3;
	[tilespmem:s24+$0x0] =	vst v2;
	v9 =	vadd.s32 $0xFA0, v6;
	v2 =	vld.idx.msk [tilespmem:v4+s4+$0x0], $0xffff  }
0xc9: {  	v5 =	vunpack.i.u.bf16.f32 v5;
	[tilespmem:s24+$0x80] =	vst v3;
	v3 =	vld.idx.msk [tilespmem:v6+s4+$0x0], $0xffff;
	v4 =	vadd.s32 $0xBB8, v9  }
0xca: {  	[tilespmem:s24+$0xFFFFFF80] =	vst v5;
	v5 =	vunpack.i.l.bf16.f32 v0;
	v6 =	vld.idx.msk [tilespmem:v8+s4+$0x0], $0xffff;
	v8 =	vadd.s32 $0x3E8, v9  }
0xcb: {  	v0 =	vunpack.i.u.bf16.f32 v0;
	[tilespmem:s24+$0xFFFFFE00] =	vst v5;
	v10 =	vadd.s32 $0x7D0, v9  }
0xcc: {  	[tilespmem:s24+$0xFFFFFE80] =	vst v0;
	v1 =	vunpack.i.u.bf16.f32 v7  }
0xcd: {  	v0 =	vld.idx.msk [tilespmem:v9+s4+$0x0], $0xffff;
	v5 =	vunpack.i.l.bf16.f32 v2;
	[tilespmem:s6+$0x180] =	vst v1  }
0xce: {  	v11 =	vunpack.i.u.bf16.f32 v2;
	v1 =	vld.idx.msk [tilespmem:v4+s4+$0x0], $0xffff;
	[tilespmem:s6+$0xFFFFFF00] =	vst v5  }
0xcf: {  	v2 =	vunpack.i.u.bf16.f32 v3;
	v12 =	vunpack.i.l.bf16.f32 v6;
	v7 =	vunpack.i.l.bf16.f32 v7;
	v5 =	vld.idx.msk [tilespmem:v8+s4+$0x0], $0xffff;
	[tilespmem:s6+$0xFFFFFF80] =	vst v11  }
0xd0: {  	s23 =	simm.s32 $0x4;
	s11 =	smov.u32 s6;
	v4 =	vunpack.i.l.bf16.f32 v3;
	v8 =	vunpack.i.u.bf16.f32 v6;
	v3 =	vld.idx.msk [tilespmem:v10+s4+$0x0], $0xffff;
	v6 =	vadd.s32 $0xFA0, v9;
	[tilespmem:s6+$0x0] =	vst v12  }
.LBB2_16:
0xd1: {  	v9 =	vadd.s32 $0x3E8, v6;
	v10 =	vadd.s32 $0x7D0, v6;
	v11 =	vadd.s32 $0xBB8, v6;
	s23 =	sadd.s32 $0x4, s23;
	[tilespmem:s11+$0x80] =	vst v8  }
0xd2: {  	p1 =	slt.u32 s23, $0x1C;
	[tilespmem:s11+$0x100] =	vst v7  }
0xd3: {  	v8 =	vunpack.i.u.bf16.f32 v0;
	[tilespmem:s11+$0xFFFFFE00] =	vst v4;
	v4 =	vunpack.i.l.bf16.f32 v0  }
.Ltmp8:
0xd4: {  	v12 =	vunpack.i.u.bf16.f32 v1;
	v7 =	vunpack.i.l.bf16.f32 v1;
	[tilespmem:s11+$0xFFFFFE80] =	vst v2;
	s11 =	sadd.s32 $0x1000, s11;
	v2 =	vmov v8;
	(pc) =	sbr.rel @p1 .LBB2_16-.Ltmp8, $4  }
0xd5: {  	v13 =	vunpack.i.u.bf16.f32 v5;
	v5 =	vunpack.i.l.bf16.f32 v5;
	v0 =	vld.idx.msk [tilespmem:v6+s4+$0x0], $0xffff;
	[tilespmem:s11+$0x180] =	vst v12  }
0xd6: {  	v8 =	vunpack.i.u.bf16.f32 v3;
	v1 =	vld.idx.msk [tilespmem:v11+s4+$0x0], $0xffff;
	[tilespmem:s11+$0xFFFFFF00] =	vst v5;
	v11 =	vunpack.i.l.bf16.f32 v3  }
0xd7: {  	v5 =	vld.idx.msk [tilespmem:v9+s4+$0x0], $0xffff;
	[tilespmem:s11+$0xFFFFFF80] =	vst v13  }
0xd8: {  	v6 =	vadd.s32 $0xFA0, v6;
	v3 =	vld.idx.msk [tilespmem:v10+s4+$0x0], $0xffff;
	[tilespmem:s11+$0x0] =	vst v11  }
0xd9: {  	v6 =	vld [tilespmem:s7+$0x7D70];
	_ =	sdelay $0x3  }
0xda: {  	[tilespmem:s11+$0x80] =	vst v8  }
0xdb: {  	[tilespmem:s11+$0x100] =	vst v7;
	v7 =	vadd.s32 $0xBB8, v6  }
0xdc: {  	[tilespmem:s11+$0xFFFFFE00] =	vst v4;
	v4 =	vadd.s32 $0x3E8, v6  }
0xdd: {  	[tilespmem:s11+$0xFFFFFE80] =	vst v2;
	s24 =	sadd.s32 $0x1000, s11;
	v8 =	vunpack.i.u.bf16.f32 v1  }
0xde: {  	v1 =	vunpack.i.l.bf16.f32 v1;
	[tilespmem:s24+$0x180] =	vst v8;
	v8 =	vadd.s32 $0x7D0, v6  }
0xdf: {  	v2 =	vunpack.i.l.bf16.f32 v5;
	[tilespmem:s24+$0x100] =	vst v1  }
0xe0: {  	[tilespmem:s24+$0xFFFFFF00] =	vst v2;
	v2 =	vunpack.i.l.bf16.f32 v3;
	v7 =	vld.idx.msk [tilespmem:v7+s4+$0x0], $0xffff  }
0xe1: {  	v3 =	vunpack.i.u.bf16.f32 v3;
	[tilespmem:s24+$0x0] =	vst v2;
	v9 =	vadd.s32 $0xFA0, v6;
	v2 =	vld.idx.msk [tilespmem:v4+s4+$0x0], $0xffff  }
0xe2: {  	v5 =	vunpack.i.u.bf16.f32 v5;
	[tilespmem:s24+$0x80] =	vst v3;
	v3 =	vld.idx.msk [tilespmem:v6+s4+$0x0], $0xffff;
	v4 =	vadd.s32 $0xBB8, v9  }
0xe3: {  	[tilespmem:s24+$0xFFFFFF80] =	vst v5;
	v5 =	vunpack.i.l.bf16.f32 v0;
	v6 =	vld.idx.msk [tilespmem:v8+s4+$0x0], $0xffff;
	v8 =	vadd.s32 $0x3E8, v9  }
0xe4: {  	v0 =	vunpack.i.u.bf16.f32 v0;
	[tilespmem:s24+$0xFFFFFE00] =	vst v5;
	v10 =	vadd.s32 $0x7D0, v9  }
0xe5: {  	[tilespmem:s24+$0xFFFFFE80] =	vst v0;
	v1 =	vunpack.i.u.bf16.f32 v7  }
0xe6: {  	v0 =	vld.idx.msk [tilespmem:v9+s4+$0x0], $0xffff;
	v5 =	vunpack.i.l.bf16.f32 v2;
	[tilespmem:s8+$0x180] =	vst v1  }
0xe7: {  	v11 =	vunpack.i.u.bf16.f32 v2;
	v1 =	vld.idx.msk [tilespmem:v4+s4+$0x0], $0xffff;
	[tilespmem:s8+$0xFFFFFF00] =	vst v5  }
0xe8: {  	v2 =	vunpack.i.u.bf16.f32 v3;
	v3 =	vunpack.i.l.bf16.f32 v3;
	v12 =	vunpack.i.l.bf16.f32 v6;
	v5 =	vld.idx.msk [tilespmem:v8+s4+$0x0], $0xffff;
	[tilespmem:s8+$0xFFFFFF80] =	vst v11  }
0xe9: {  	s11 =	simm.s32 $0x4;
	s7 =	smov.u32 s8;
	v7 =	vunpack.i.l.bf16.f32 v7;
	v8 =	vunpack.i.u.bf16.f32 v6;
	v4 =	vld.idx.msk [tilespmem:v10+s4+$0x0], $0xffff;
	v6 =	vadd.s32 $0xFA0, v9;
	[tilespmem:s8+$0x0] =	vst v12  }
.LBB2_18:
0xea: {  	v9 =	vadd.s32 $0x3E8, v6;
	v10 =	vadd.s32 $0x7D0, v6;
	v11 =	vadd.s32 $0xBB8, v6;
	s11 =	sadd.s32 $0x4, s11;
	[tilespmem:s7+$0x80] =	vst v8  }
0xeb: {  	p1 =	slt.u32 s11, $0x1C;
	[tilespmem:s7+$0x100] =	vst v7  }
0xec: {  	v8 =	vunpack.i.u.bf16.f32 v0;
	[tilespmem:s7+$0xFFFFFE00] =	vst v3;
	v3 =	vunpack.i.l.bf16.f32 v0  }
.Ltmp9:
0xed: {  	v12 =	vunpack.i.u.bf16.f32 v1;
	v7 =	vunpack.i.l.bf16.f32 v1;
	[tilespmem:s7+$0xFFFFFE80] =	vst v2;
	s7 =	sadd.s32 $0x1000, s7;
	v2 =	vmov v8;
	(pc) =	sbr.rel @p1 .LBB2_18-.Ltmp9, $4  }
0xee: {  	v13 =	vunpack.i.u.bf16.f32 v5;
	v5 =	vunpack.i.l.bf16.f32 v5;
	v0 =	vld.idx.msk [tilespmem:v6+s4+$0x0], $0xffff;
	[tilespmem:s7+$0x180] =	vst v12  }
0xef: {  	v8 =	vunpack.i.u.bf16.f32 v4;
	v1 =	vld.idx.msk [tilespmem:v11+s4+$0x0], $0xffff;
	[tilespmem:s7+$0xFFFFFF00] =	vst v5;
	v11 =	vunpack.i.l.bf16.f32 v4  }
0xf0: {  	v5 =	vld.idx.msk [tilespmem:v9+s4+$0x0], $0xffff;
	[tilespmem:s7+$0xFFFFFF80] =	vst v13  }
0xf1: {  	v6 =	vadd.s32 $0xFA0, v6;
	v4 =	vld.idx.msk [tilespmem:v10+s4+$0x0], $0xffff;
	[tilespmem:s7+$0x0] =	vst v11  }
0xf2: {  	[tilespmem:s7+$0x80] =	vst v8  }
0xf3: {  	[tilespmem:s7+$0x100] =	vst v7  }
0xf4: {  	[tilespmem:s7+$0xFFFFFE00] =	vst v3  }
0xf5: {  	[tilespmem:s7+$0xFFFFFE80] =	vst v2;
	s24 =	sadd.s32 $0x1000, s7;
	v62 =	vunpack.i.l.bf16.f32 v0  }
0xf6: {  	v63 =	vunpack.i.u.bf16.f32 v0;
	[tilespmem:s24+$0xFFFFFE00] =	vst v62  }
0xf7: {  	v56 =	vunpack.i.u.bf16.f32 v1;
	[tilespmem:s24+$0xFFFFFE80] =	vst v63  }
0xf8: {  	p1 =	slt.u32 s10, $0x18;
	v61 =	vunpack.i.l.bf16.f32 v1;
	[tilespmem:s24+$0x180] =	vst v56  }
.Ltmp10:
0xf9: {  	v57 =	vunpack.i.l.bf16.f32 v5;
	[tilespmem:s24+$0x100] =	vst v61;
	(pc) =	sbr.rel @p1 .LBB2_3-.Ltmp10, $4  }
0xfa: {  	v58 =	vunpack.i.u.bf16.f32 v5;
	[tilespmem:s24+$0xFFFFFF00] =	vst v57  }
0xfb: {  	s10 =	sadd.s32 $0x8, s10;
	s28 =	sadd.s32 $0x400, s28;
	s29 =	sadd.s32 $0x400, s29;
	v59 =	vunpack.i.l.bf16.f32 v4;
	[tilespmem:s24+$0xFFFFFF80] =	vst v58  }
0xfc: {  	s30 =	sadd.s32 $0x400, s30;
	s31 =	sadd.s32 $0x400, s31;
	s0 =	sadd.s32 $0x400, s0;
	v60 =	vunpack.i.u.bf16.f32 v4;
	[tilespmem:s24+$0x0] =	vst v59  }
0xfd: {  	s1 =	sadd.s32 $0x400, s1;
	s6 =	sadd.s32 $0x400, s6;
	s8 =	sadd.s32 $0x400, s8;
	[tilespmem:s24+$0x80] =	vst v60  }
0xfe: {  	p1 =	sne.s32 s25, $0x18  }
.Ltmp11:
0xff: {  	s0 =	sshll.u32 s25, $0x15;
	(pc) =	sbr.rel @p1 .LBB2_22-.Ltmp11, $4  }
0x100: {  	s0 =	sor.u32 s5, s0  }
0x101: {  	s28 =	sshrl.u32 s0, $0x3  }
0x102: {  	s0 =	sadd.s32 s3, s28  }
0x103: {  	[hbm4b:s0+s17] =	stream.strided.scatter [tilespmem:s19], [sflag:$0x3], $0x8000, s18, s17, $0x38;
	[tilespmem:$0x18100] =	vst v63  }
.Ltmp12:
0x104: {  	(pc) =	sbr.rel .LBB2_23-.Ltmp12, $4  }
0x105: {  	_ = 	snop  }
0x106: {  	_ =	swait.ge [sflag:s20], $0x200  }
0x107: {  	[sflag:s20] =	ssyncset.done $0x0  }
0x108: {  	[sflag:s20] =	ssyncadd.s32 $0xFFFFFE00  }
.LBB2_22:
0x109: {  	s0 =	sadd.s32 $0x2, s26  }
0x10a: {  	s1 =	sshll.u32 s0, $0x7;
	s0 =	sshll.u32 s0, $0xE  }
0x10b: {  	s1 =	sand.u32 $0x300, s1;
	s0 =	sand.u32 $0x1E0000, s0  }
0x10c: {  	s0 =	sor.u32 s0, s1  }
0x10d: {  	s0 =	sor.u32 s5, s0  }
0x10e: {  	s0 =	sshrl.u32 s0, $0x3  }
.Ltmp13:
0x10f: {  	s0 =	sadd.s32 s2, s0;
	(pc) =	sbr.rel @p0 .LBB2_24-.Ltmp13, $4  }
0x110: {  	[tilespmem:s14], [sflag:$0x1] =	stream.strided.gather [hbm4b:s0+s12], $0x200, s13, s12, $0x38;
	[tilespmem:$0x18100] =	vst v63  }
0x111: {  	_ =	swait.ge [sflag:s20], $0x200  }
0x112: {  	[sflag:s20] =	ssyncset.done $0x0  }
0x113: {  	[sflag:s20] =	ssyncadd.s32 $0xFFFFFE00  }
.LBB2_23:
0x114: {  	_ =	swait.ge [sflag:s21], $0x8000  }
0x115: {  	[sflag:s21] =	ssyncset.done $0x0  }
0x116: {  	[sflag:s21] =	ssyncadd.s32 $0xFFFF8000  }
.LBB2_24:
0x117: {  	s7 =	simm.s32 $0x0;
	s23 =	simm.s32 $0x10300;
	s30 =	simm.s32 $0x10310  }
0x118: {  	s31 =	simm.s32 $0x10320;
	s0 =	simm.s32 $0x10330;
	s1 =	simm.s32 $0x10340  }
0x119: {  	s6 =	simm.s32 $0x10350;
	s8 =	simm.s32 $0x10360;
	s10 =	simm.s32 $0x10370  }
.LBB2_25:
0x11a: {  	s11 =	sshll.u32 s7, $0x4  }
0x11b: {  	s11 =	sand.u32 $0x3FFFFFF0, s11  }
0x11c: {  	v0 =	vld [tilespmem:s11+$0x7F00];
	_ =	sdelay $0x4  }
0x11d: {  	v1 =	vadd.s32 $0xBB8, v0  }
0x11e: {  	v2 =	vadd.s32 $0x3E8, v0  }
0x11f: {  	v3 =	vadd.s32 $0x7D0, v0;
	_ =	sdelay $0x2  }
0x120: {  	v6 =	vld.idx.msk [tilespmem:v1+s4+$0x0], $0xffff  }
0x121: {  	v9 =	vadd.s32 $0xFA0, v0;
	v1 =	vld.idx.msk [tilespmem:v2+s4+$0x0], $0xffff  }
0x122: {  	v5 =	vadd.s32 $0x3E8, v9;
	v3 =	vld.idx.msk [tilespmem:v3+s4+$0x0], $0xffff  }
0x123: {  	v4 =	vld.idx.msk [tilespmem:v0+s4+$0x0], $0xffff;
	v2 =	vadd.s32 $0xBB8, v9  }
0x124: {  	v10 =	vadd.s32 $0x7D0, v9  }
0x125: {  	v7 =	vunpack.i.u.bf16.f32 v6  }
0x126: {  	v0 =	vld.idx.msk [tilespmem:v9+s4+$0x0], $0xffff;
	v8 =	vunpack.i.l.bf16.f32 v1;
	[tilespmem:s23+$0x180] =	vst v7  }
0x127: {  	v5 =	vld.idx.msk [tilespmem:v5+s4+$0x0], $0xffff;
	v11 =	vunpack.i.l.bf16.f32 v3;
	[tilespmem:s23+$0xFFFFFF00] =	vst v8  }
0x128: {  	v7 =	vunpack.i.u.bf16.f32 v1;
	v1 =	vld.idx.msk [tilespmem:v2+s4+$0x0], $0xffff;
	v2 =	vunpack.i.u.bf16.f32 v4;
	v4 =	vunpack.i.l.bf16.f32 v4;
	[tilespmem:s23+$0x0] =	vst v11  }
0x129: {  	s24 =	simm.s32 $0x4;
	s29 =	smov.u32 s23;
	v8 =	vunpack.i.u.bf16.f32 v3;
	v3 =	vld.idx.msk [tilespmem:v10+s4+$0x0], $0xffff;
	[tilespmem:s23+$0xFFFFFF80] =	vst v7;
	v7 =	vunpack.i.l.bf16.f32 v6;
	v6 =	vadd.s32 $0xFA0, v9  }
.LBB2_26:
0x12a: {  	v9 =	vadd.s32 $0x3E8, v6;
	v10 =	vadd.s32 $0x7D0, v6;
	v11 =	vadd.s32 $0xBB8, v6;
	s24 =	sadd.s32 $0x4, s24;
	[tilespmem:s29+$0x80] =	vst v8  }
0x12b: {  	p0 =	slt.u32 s24, $0x1C;
	[tilespmem:s29+$0x100] =	vst v7  }
0x12c: {  	v8 =	vunpack.i.u.bf16.f32 v0;
	[tilespmem:s29+$0xFFFFFE00] =	vst v4;
	v4 =	vunpack.i.l.bf16.f32 v0  }
.Ltmp14:
0x12d: {  	v12 =	vunpack.i.u.bf16.f32 v1;
	v7 =	vunpack.i.l.bf16.f32 v1;
	[tilespmem:s29+$0xFFFFFE80] =	vst v2;
	s29 =	sadd.s32 $0x1000, s29;
	v2 =	vmov v8;
	(pc) =	sbr.rel @p0 .LBB2_26-.Ltmp14, $4  }
0x12e: {  	v13 =	vunpack.i.u.bf16.f32 v5;
	v5 =	vunpack.i.l.bf16.f32 v5;
	v0 =	vld.idx.msk [tilespmem:v6+s4+$0x0], $0xffff;
	[tilespmem:s29+$0x180] =	vst v12  }
0x12f: {  	v8 =	vunpack.i.u.bf16.f32 v3;
	v1 =	vld.idx.msk [tilespmem:v11+s4+$0x0], $0xffff;
	[tilespmem:s29+$0xFFFFFF00] =	vst v5;
	v11 =	vunpack.i.l.bf16.f32 v3  }
0x130: {  	v5 =	vld.idx.msk [tilespmem:v9+s4+$0x0], $0xffff;
	[tilespmem:s29+$0xFFFFFF80] =	vst v13  }
0x131: {  	v6 =	vadd.s32 $0xFA0, v6;
	v3 =	vld.idx.msk [tilespmem:v10+s4+$0x0], $0xffff;
	[tilespmem:s29+$0x0] =	vst v11  }
0x132: {  	v6 =	vld [tilespmem:s11+$0x7F10];
	_ =	sdelay $0x3  }
0x133: {  	[tilespmem:s29+$0x80] =	vst v8  }
0x134: {  	[tilespmem:s29+$0x100] =	vst v7;
	v7 =	vadd.s32 $0xBB8, v6  }
0x135: {  	[tilespmem:s29+$0xFFFFFE00] =	vst v4;
	v4 =	vadd.s32 $0x3E8, v6  }
0x136: {  	[tilespmem:s29+$0xFFFFFE80] =	vst v2;
	s24 =	sadd.s32 $0x1000, s29;
	v8 =	vunpack.i.u.bf16.f32 v1  }
0x137: {  	v1 =	vunpack.i.l.bf16.f32 v1;
	[tilespmem:s24+$0x180] =	vst v8;
	v8 =	vadd.s32 $0x7D0, v6  }
0x138: {  	v2 =	vunpack.i.l.bf16.f32 v5;
	[tilespmem:s24+$0x100] =	vst v1  }
0x139: {  	[tilespmem:s24+$0xFFFFFF00] =	vst v2;
	v2 =	vunpack.i.l.bf16.f32 v3;
	v7 =	vld.idx.msk [tilespmem:v7+s4+$0x0], $0xffff  }
0x13a: {  	v3 =	vunpack.i.u.bf16.f32 v3;
	[tilespmem:s24+$0x0] =	vst v2;
	v9 =	vadd.s32 $0xFA0, v6;
	v2 =	vld.idx.msk [tilespmem:v4+s4+$0x0], $0xffff  }
0x13b: {  	v5 =	vunpack.i.u.bf16.f32 v5;
	[tilespmem:s24+$0x80] =	vst v3;
	v3 =	vld.idx.msk [tilespmem:v6+s4+$0x0], $0xffff;
	v4 =	vadd.s32 $0xBB8, v9  }
0x13c: {  	[tilespmem:s24+$0xFFFFFF80] =	vst v5;
	v5 =	vunpack.i.l.bf16.f32 v0;
	v6 =	vld.idx.msk [tilespmem:v8+s4+$0x0], $0xffff;
	v8 =	vadd.s32 $0x3E8, v9  }
0x13d: {  	v0 =	vunpack.i.u.bf16.f32 v0;
	[tilespmem:s24+$0xFFFFFE00] =	vst v5;
	v10 =	vadd.s32 $0x7D0, v9  }
0x13e: {  	[tilespmem:s24+$0xFFFFFE80] =	vst v0;
	v1 =	vunpack.i.u.bf16.f32 v7  }
0x13f: {  	v0 =	vld.idx.msk [tilespmem:v9+s4+$0x0], $0xffff;
	v5 =	vunpack.i.l.bf16.f32 v2;
	[tilespmem:s30+$0x180] =	vst v1  }
0x140: {  	v11 =	vunpack.i.u.bf16.f32 v2;
	v1 =	vld.idx.msk [tilespmem:v4+s4+$0x0], $0xffff;
	[tilespmem:s30+$0xFFFFFF00] =	vst v5  }
0x141: {  	v2 =	vunpack.i.u.bf16.f32 v3;
	v12 =	vunpack.i.l.bf16.f32 v6;
	v7 =	vunpack.i.l.bf16.f32 v7;
	v5 =	vld.idx.msk [tilespmem:v8+s4+$0x0], $0xffff;
	[tilespmem:s30+$0xFFFFFF80] =	vst v11  }
0x142: {  	s29 =	smov.u32 s30;
	s24 =	simm.s32 $0x4;
	v4 =	vunpack.i.l.bf16.f32 v3;
	v8 =	vunpack.i.u.bf16.f32 v6;
	v3 =	vld.idx.msk [tilespmem:v10+s4+$0x0], $0xffff;
	v6 =	vadd.s32 $0xFA0, v9;
	[tilespmem:s30+$0x0] =	vst v12  }
.LBB2_28:
0x143: {  	v9 =	vadd.s32 $0x3E8, v6;
	v10 =	vadd.s32 $0x7D0, v6;
	v11 =	vadd.s32 $0xBB8, v6;
	s24 =	sadd.s32 $0x4, s24;
	[tilespmem:s29+$0x80] =	vst v8  }
0x144: {  	p0 =	slt.u32 s24, $0x1C;
	[tilespmem:s29+$0x100] =	vst v7  }
0x145: {  	v8 =	vunpack.i.u.bf16.f32 v0;
	[tilespmem:s29+$0xFFFFFE00] =	vst v4;
	v4 =	vunpack.i.l.bf16.f32 v0  }
.Ltmp15:
0x146: {  	v12 =	vunpack.i.u.bf16.f32 v1;
	v7 =	vunpack.i.l.bf16.f32 v1;
	[tilespmem:s29+$0xFFFFFE80] =	vst v2;
	s29 =	sadd.s32 $0x1000, s29;
	v2 =	vmov v8;
	(pc) =	sbr.rel @p0 .LBB2_28-.Ltmp15, $4  }
0x147: {  	v13 =	vunpack.i.u.bf16.f32 v5;
	v5 =	vunpack.i.l.bf16.f32 v5;
	v0 =	vld.idx.msk [tilespmem:v6+s4+$0x0], $0xffff;
	[tilespmem:s29+$0x180] =	vst v12  }
0x148: {  	v8 =	vunpack.i.u.bf16.f32 v3;
	v1 =	vld.idx.msk [tilespmem:v11+s4+$0x0], $0xffff;
	[tilespmem:s29+$0xFFFFFF00] =	vst v5;
	v11 =	vunpack.i.l.bf16.f32 v3  }
0x149: {  	v5 =	vld.idx.msk [tilespmem:v9+s4+$0x0], $0xffff;
	[tilespmem:s29+$0xFFFFFF80] =	vst v13  }
0x14a: {  	v6 =	vadd.s32 $0xFA0, v6;
	v3 =	vld.idx.msk [tilespmem:v10+s4+$0x0], $0xffff;
	[tilespmem:s29+$0x0] =	vst v11  }
0x14b: {  	v6 =	vld [tilespmem:s11+$0x7F20];
	_ =	sdelay $0x3  }
0x14c: {  	[tilespmem:s29+$0x80] =	vst v8  }
0x14d: {  	[tilespmem:s29+$0x100] =	vst v7;
	v7 =	vadd.s32 $0xBB8, v6  }
0x14e: {  	[tilespmem:s29+$0xFFFFFE00] =	vst v4;
	v4 =	vadd.s32 $0x3E8, v6  }
0x14f: {  	[tilespmem:s29+$0xFFFFFE80] =	vst v2;
	s24 =	sadd.s32 $0x1000, s29;
	v8 =	vunpack.i.u.bf16.f32 v1  }
0x150: {  	v1 =	vunpack.i.l.bf16.f32 v1;
	[tilespmem:s24+$0x180] =	vst v8;
	v8 =	vadd.s32 $0x7D0, v6  }
0x151: {  	v2 =	vunpack.i.l.bf16.f32 v5;
	[tilespmem:s24+$0x100] =	vst v1  }
0x152: {  	[tilespmem:s24+$0xFFFFFF00] =	vst v2;
	v2 =	vunpack.i.l.bf16.f32 v3;
	v7 =	vld.idx.msk [tilespmem:v7+s4+$0x0], $0xffff  }
0x153: {  	v3 =	vunpack.i.u.bf16.f32 v3;
	[tilespmem:s24+$0x0] =	vst v2;
	v9 =	vadd.s32 $0xFA0, v6;
	v2 =	vld.idx.msk [tilespmem:v4+s4+$0x0], $0xffff  }
0x154: {  	v5 =	vunpack.i.u.bf16.f32 v5;
	[tilespmem:s24+$0x80] =	vst v3;
	v3 =	vld.idx.msk [tilespmem:v6+s4+$0x0], $0xffff;
	v4 =	vadd.s32 $0xBB8, v9  }
0x155: {  	[tilespmem:s24+$0xFFFFFF80] =	vst v5;
	v5 =	vunpack.i.l.bf16.f32 v0;
	v6 =	vld.idx.msk [tilespmem:v8+s4+$0x0], $0xffff;
	v8 =	vadd.s32 $0x3E8, v9  }
0x156: {  	v0 =	vunpack.i.u.bf16.f32 v0;
	[tilespmem:s24+$0xFFFFFE00] =	vst v5;
	v10 =	vadd.s32 $0x7D0, v9  }
0x157: {  	[tilespmem:s24+$0xFFFFFE80] =	vst v0;
	v1 =	vunpack.i.u.bf16.f32 v7  }
0x158: {  	v0 =	vld.idx.msk [tilespmem:v9+s4+$0x0], $0xffff;
	v5 =	vunpack.i.l.bf16.f32 v2;
	[tilespmem:s31+$0x180] =	vst v1  }
0x159: {  	v11 =	vunpack.i.u.bf16.f32 v2;
	v1 =	vld.idx.msk [tilespmem:v4+s4+$0x0], $0xffff;
	[tilespmem:s31+$0xFFFFFF00] =	vst v5  }
0x15a: {  	v2 =	vunpack.i.u.bf16.f32 v3;
	v12 =	vunpack.i.l.bf16.f32 v6;
	v7 =	vunpack.i.l.bf16.f32 v7;
	v5 =	vld.idx.msk [tilespmem:v8+s4+$0x0], $0xffff;
	[tilespmem:s31+$0xFFFFFF80] =	vst v11  }
0x15b: {  	s29 =	smov.u32 s31;
	s24 =	simm.s32 $0x4;
	v4 =	vunpack.i.l.bf16.f32 v3;
	v8 =	vunpack.i.u.bf16.f32 v6;
	v3 =	vld.idx.msk [tilespmem:v10+s4+$0x0], $0xffff;
	v6 =	vadd.s32 $0xFA0, v9;
	[tilespmem:s31+$0x0] =	vst v12  }
.LBB2_30:
0x15c: {  	v9 =	vadd.s32 $0x3E8, v6;
	v10 =	vadd.s32 $0x7D0, v6;
	v11 =	vadd.s32 $0xBB8, v6;
	s24 =	sadd.s32 $0x4, s24;
	[tilespmem:s29+$0x80] =	vst v8  }
0x15d: {  	p0 =	slt.u32 s24, $0x1C;
	[tilespmem:s29+$0x100] =	vst v7  }
0x15e: {  	v8 =	vunpack.i.u.bf16.f32 v0;
	[tilespmem:s29+$0xFFFFFE00] =	vst v4;
	v4 =	vunpack.i.l.bf16.f32 v0  }
.Ltmp16:
0x15f: {  	v12 =	vunpack.i.u.bf16.f32 v1;
	v7 =	vunpack.i.l.bf16.f32 v1;
	[tilespmem:s29+$0xFFFFFE80] =	vst v2;
	s29 =	sadd.s32 $0x1000, s29;
	v2 =	vmov v8;
	(pc) =	sbr.rel @p0 .LBB2_30-.Ltmp16, $4  }
0x160: {  	v13 =	vunpack.i.u.bf16.f32 v5;
	v5 =	vunpack.i.l.bf16.f32 v5;
	v0 =	vld.idx.msk [tilespmem:v6+s4+$0x0], $0xffff;
	[tilespmem:s29+$0x180] =	vst v12  }
0x161: {  	v8 =	vunpack.i.u.bf16.f32 v3;
	v1 =	vld.idx.msk [tilespmem:v11+s4+$0x0], $0xffff;
	[tilespmem:s29+$0xFFFFFF00] =	vst v5;
	v11 =	vunpack.i.l.bf16.f32 v3  }
0x162: {  	v5 =	vld.idx.msk [tilespmem:v9+s4+$0x0], $0xffff;
	[tilespmem:s29+$0xFFFFFF80] =	vst v13  }
0x163: {  	v6 =	vadd.s32 $0xFA0, v6;
	v3 =	vld.idx.msk [tilespmem:v10+s4+$0x0], $0xffff;
	[tilespmem:s29+$0x0] =	vst v11  }
0x164: {  	v6 =	vld [tilespmem:s11+$0x7F30];
	_ =	sdelay $0x3  }
0x165: {  	[tilespmem:s29+$0x80] =	vst v8  }
0x166: {  	[tilespmem:s29+$0x100] =	vst v7;
	v7 =	vadd.s32 $0xBB8, v6  }
0x167: {  	[tilespmem:s29+$0xFFFFFE00] =	vst v4;
	v4 =	vadd.s32 $0x3E8, v6  }
0x168: {  	[tilespmem:s29+$0xFFFFFE80] =	vst v2;
	s24 =	sadd.s32 $0x1000, s29;
	v8 =	vunpack.i.u.bf16.f32 v1  }
0x169: {  	v1 =	vunpack.i.l.bf16.f32 v1;
	[tilespmem:s24+$0x180] =	vst v8;
	v8 =	vadd.s32 $0x7D0, v6  }
0x16a: {  	v2 =	vunpack.i.l.bf16.f32 v5;
	[tilespmem:s24+$0x100] =	vst v1  }
0x16b: {  	[tilespmem:s24+$0xFFFFFF00] =	vst v2;
	v2 =	vunpack.i.l.bf16.f32 v3;
	v7 =	vld.idx.msk [tilespmem:v7+s4+$0x0], $0xffff  }
0x16c: {  	v3 =	vunpack.i.u.bf16.f32 v3;
	[tilespmem:s24+$0x0] =	vst v2;
	v9 =	vadd.s32 $0xFA0, v6;
	v2 =	vld.idx.msk [tilespmem:v4+s4+$0x0], $0xffff  }
0x16d: {  	v5 =	vunpack.i.u.bf16.f32 v5;
	[tilespmem:s24+$0x80] =	vst v3;
	v3 =	vld.idx.msk [tilespmem:v6+s4+$0x0], $0xffff;
	v4 =	vadd.s32 $0xBB8, v9  }
0x16e: {  	[tilespmem:s24+$0xFFFFFF80] =	vst v5;
	v5 =	vunpack.i.l.bf16.f32 v0;
	v6 =	vld.idx.msk [tilespmem:v8+s4+$0x0], $0xffff;
	v8 =	vadd.s32 $0x3E8, v9  }
0x16f: {  	v0 =	vunpack.i.u.bf16.f32 v0;
	[tilespmem:s24+$0xFFFFFE00] =	vst v5;
	v10 =	vadd.s32 $0x7D0, v9  }
0x170: {  	[tilespmem:s24+$0xFFFFFE80] =	vst v0;
	v1 =	vunpack.i.u.bf16.f32 v7  }
0x171: {  	v0 =	vld.idx.msk [tilespmem:v9+s4+$0x0], $0xffff;
	v5 =	vunpack.i.l.bf16.f32 v2;
	[tilespmem:s0+$0x180] =	vst v1  }
0x172: {  	v11 =	vunpack.i.u.bf16.f32 v2;
	v1 =	vld.idx.msk [tilespmem:v4+s4+$0x0], $0xffff;
	[tilespmem:s0+$0xFFFFFF00] =	vst v5  }
0x173: {  	v2 =	vunpack.i.u.bf16.f32 v3;
	v12 =	vunpack.i.l.bf16.f32 v6;
	v7 =	vunpack.i.l.bf16.f32 v7;
	v5 =	vld.idx.msk [tilespmem:v8+s4+$0x0], $0xffff;
	[tilespmem:s0+$0xFFFFFF80] =	vst v11  }
0x174: {  	s29 =	smov.u32 s0;
	s24 =	simm.s32 $0x4;
	v4 =	vunpack.i.l.bf16.f32 v3;
	v8 =	vunpack.i.u.bf16.f32 v6;
	v3 =	vld.idx.msk [tilespmem:v10+s4+$0x0], $0xffff;
	v6 =	vadd.s32 $0xFA0, v9;
	[tilespmem:s0+$0x0] =	vst v12  }
.LBB2_32:
0x175: {  	v9 =	vadd.s32 $0x3E8, v6;
	v10 =	vadd.s32 $0x7D0, v6;
	v11 =	vadd.s32 $0xBB8, v6;
	s24 =	sadd.s32 $0x4, s24;
	[tilespmem:s29+$0x80] =	vst v8  }
0x176: {  	p0 =	slt.u32 s24, $0x1C;
	[tilespmem:s29+$0x100] =	vst v7  }
0x177: {  	v8 =	vunpack.i.u.bf16.f32 v0;
	[tilespmem:s29+$0xFFFFFE00] =	vst v4;
	v4 =	vunpack.i.l.bf16.f32 v0  }
.Ltmp17:
0x178: {  	v12 =	vunpack.i.u.bf16.f32 v1;
	v7 =	vunpack.i.l.bf16.f32 v1;
	[tilespmem:s29+$0xFFFFFE80] =	vst v2;
	s29 =	sadd.s32 $0x1000, s29;
	v2 =	vmov v8;
	(pc) =	sbr.rel @p0 .LBB2_32-.Ltmp17, $4  }
0x179: {  	v13 =	vunpack.i.u.bf16.f32 v5;
	v5 =	vunpack.i.l.bf16.f32 v5;
	v0 =	vld.idx.msk [tilespmem:v6+s4+$0x0], $0xffff;
	[tilespmem:s29+$0x180] =	vst v12  }
0x17a: {  	v8 =	vunpack.i.u.bf16.f32 v3;
	v1 =	vld.idx.msk [tilespmem:v11+s4+$0x0], $0xffff;
	[tilespmem:s29+$0xFFFFFF00] =	vst v5;
	v11 =	vunpack.i.l.bf16.f32 v3  }
0x17b: {  	v5 =	vld.idx.msk [tilespmem:v9+s4+$0x0], $0xffff;
	[tilespmem:s29+$0xFFFFFF80] =	vst v13  }
0x17c: {  	v6 =	vadd.s32 $0xFA0, v6;
	v3 =	vld.idx.msk [tilespmem:v10+s4+$0x0], $0xffff;
	[tilespmem:s29+$0x0] =	vst v11  }
0x17d: {  	v6 =	vld [tilespmem:s11+$0x7F40];
	_ =	sdelay $0x3  }
0x17e: {  	[tilespmem:s29+$0x80] =	vst v8  }
0x17f: {  	[tilespmem:s29+$0x100] =	vst v7;
	v7 =	vadd.s32 $0xBB8, v6  }
0x180: {  	[tilespmem:s29+$0xFFFFFE00] =	vst v4;
	v4 =	vadd.s32 $0x3E8, v6  }
0x181: {  	[tilespmem:s29+$0xFFFFFE80] =	vst v2;
	s24 =	sadd.s32 $0x1000, s29;
	v8 =	vunpack.i.u.bf16.f32 v1  }
0x182: {  	v1 =	vunpack.i.l.bf16.f32 v1;
	[tilespmem:s24+$0x180] =	vst v8;
	v8 =	vadd.s32 $0x7D0, v6  }
0x183: {  	v2 =	vunpack.i.l.bf16.f32 v5;
	[tilespmem:s24+$0x100] =	vst v1  }
0x184: {  	[tilespmem:s24+$0xFFFFFF00] =	vst v2;
	v2 =	vunpack.i.l.bf16.f32 v3;
	v7 =	vld.idx.msk [tilespmem:v7+s4+$0x0], $0xffff  }
0x185: {  	v3 =	vunpack.i.u.bf16.f32 v3;
	[tilespmem:s24+$0x0] =	vst v2;
	v9 =	vadd.s32 $0xFA0, v6;
	v2 =	vld.idx.msk [tilespmem:v4+s4+$0x0], $0xffff  }
0x186: {  	v5 =	vunpack.i.u.bf16.f32 v5;
	[tilespmem:s24+$0x80] =	vst v3;
	v3 =	vld.idx.msk [tilespmem:v6+s4+$0x0], $0xffff;
	v4 =	vadd.s32 $0xBB8, v9  }
0x187: {  	[tilespmem:s24+$0xFFFFFF80] =	vst v5;
	v5 =	vunpack.i.l.bf16.f32 v0;
	v6 =	vld.idx.msk [tilespmem:v8+s4+$0x0], $0xffff;
	v8 =	vadd.s32 $0x3E8, v9  }
0x188: {  	v0 =	vunpack.i.u.bf16.f32 v0;
	[tilespmem:s24+$0xFFFFFE00] =	vst v5;
	v10 =	vadd.s32 $0x7D0, v9  }
0x189: {  	[tilespmem:s24+$0xFFFFFE80] =	vst v0;
	v1 =	vunpack.i.u.bf16.f32 v7  }
0x18a: {  	v0 =	vld.idx.msk [tilespmem:v9+s4+$0x0], $0xffff;
	v5 =	vunpack.i.l.bf16.f32 v2;
	[tilespmem:s1+$0x180] =	vst v1  }
0x18b: {  	v11 =	vunpack.i.u.bf16.f32 v2;
	v1 =	vld.idx.msk [tilespmem:v4+s4+$0x0], $0xffff;
	[tilespmem:s1+$0xFFFFFF00] =	vst v5  }
0x18c: {  	v2 =	vunpack.i.u.bf16.f32 v3;
	v12 =	vunpack.i.l.bf16.f32 v6;
	v7 =	vunpack.i.l.bf16.f32 v7;
	v5 =	vld.idx.msk [tilespmem:v8+s4+$0x0], $0xffff;
	[tilespmem:s1+$0xFFFFFF80] =	vst v11  }
0x18d: {  	s29 =	smov.u32 s1;
	s24 =	simm.s32 $0x4;
	v4 =	vunpack.i.l.bf16.f32 v3;
	v8 =	vunpack.i.u.bf16.f32 v6;
	v3 =	vld.idx.msk [tilespmem:v10+s4+$0x0], $0xffff;
	v6 =	vadd.s32 $0xFA0, v9;
	[tilespmem:s1+$0x0] =	vst v12  }
.LBB2_34:
0x18e: {  	v9 =	vadd.s32 $0x3E8, v6;
	v10 =	vadd.s32 $0x7D0, v6;
	v11 =	vadd.s32 $0xBB8, v6;
	s24 =	sadd.s32 $0x4, s24;
	[tilespmem:s29+$0x80] =	vst v8  }
0x18f: {  	p0 =	slt.u32 s24, $0x1C;
	[tilespmem:s29+$0x100] =	vst v7  }
0x190: {  	v8 =	vunpack.i.u.bf16.f32 v0;
	[tilespmem:s29+$0xFFFFFE00] =	vst v4;
	v4 =	vunpack.i.l.bf16.f32 v0  }
.Ltmp18:
0x191: {  	v12 =	vunpack.i.u.bf16.f32 v1;
	v7 =	vunpack.i.l.bf16.f32 v1;
	[tilespmem:s29+$0xFFFFFE80] =	vst v2;
	s29 =	sadd.s32 $0x1000, s29;
	v2 =	vmov v8;
	(pc) =	sbr.rel @p0 .LBB2_34-.Ltmp18, $4  }
0x192: {  	v13 =	vunpack.i.u.bf16.f32 v5;
	v5 =	vunpack.i.l.bf16.f32 v5;
	v0 =	vld.idx.msk [tilespmem:v6+s4+$0x0], $0xffff;
	[tilespmem:s29+$0x180] =	vst v12  }
0x193: {  	v8 =	vunpack.i.u.bf16.f32 v3;
	v1 =	vld.idx.msk [tilespmem:v11+s4+$0x0], $0xffff;
	[tilespmem:s29+$0xFFFFFF00] =	vst v5;
	v11 =	vunpack.i.l.bf16.f32 v3  }
0x194: {  	v5 =	vld.idx.msk [tilespmem:v9+s4+$0x0], $0xffff;
	[tilespmem:s29+$0xFFFFFF80] =	vst v13  }
0x195: {  	v6 =	vadd.s32 $0xFA0, v6;
	v3 =	vld.idx.msk [tilespmem:v10+s4+$0x0], $0xffff;
	[tilespmem:s29+$0x0] =	vst v11  }
0x196: {  	v6 =	vld [tilespmem:s11+$0x7F50];
	_ =	sdelay $0x3  }
0x197: {  	[tilespmem:s29+$0x80] =	vst v8  }
0x198: {  	[tilespmem:s29+$0x100] =	vst v7;
	v7 =	vadd.s32 $0xBB8, v6  }
0x199: {  	[tilespmem:s29+$0xFFFFFE00] =	vst v4;
	v4 =	vadd.s32 $0x3E8, v6  }
0x19a: {  	[tilespmem:s29+$0xFFFFFE80] =	vst v2;
	s24 =	sadd.s32 $0x1000, s29;
	v8 =	vunpack.i.u.bf16.f32 v1  }
0x19b: {  	v1 =	vunpack.i.l.bf16.f32 v1;
	[tilespmem:s24+$0x180] =	vst v8;
	v8 =	vadd.s32 $0x7D0, v6  }
0x19c: {  	v2 =	vunpack.i.l.bf16.f32 v5;
	[tilespmem:s24+$0x100] =	vst v1  }
0x19d: {  	[tilespmem:s24+$0xFFFFFF00] =	vst v2;
	v2 =	vunpack.i.l.bf16.f32 v3;
	v7 =	vld.idx.msk [tilespmem:v7+s4+$0x0], $0xffff  }
0x19e: {  	v3 =	vunpack.i.u.bf16.f32 v3;
	[tilespmem:s24+$0x0] =	vst v2;
	v9 =	vadd.s32 $0xFA0, v6;
	v2 =	vld.idx.msk [tilespmem:v4+s4+$0x0], $0xffff  }
0x19f: {  	v5 =	vunpack.i.u.bf16.f32 v5;
	[tilespmem:s24+$0x80] =	vst v3;
	v3 =	vld.idx.msk [tilespmem:v6+s4+$0x0], $0xffff;
	v4 =	vadd.s32 $0xBB8, v9  }
0x1a0: {  	[tilespmem:s24+$0xFFFFFF80] =	vst v5;
	v5 =	vunpack.i.l.bf16.f32 v0;
	v6 =	vld.idx.msk [tilespmem:v8+s4+$0x0], $0xffff;
	v8 =	vadd.s32 $0x3E8, v9  }
0x1a1: {  	v0 =	vunpack.i.u.bf16.f32 v0;
	[tilespmem:s24+$0xFFFFFE00] =	vst v5;
	v10 =	vadd.s32 $0x7D0, v9  }
0x1a2: {  	[tilespmem:s24+$0xFFFFFE80] =	vst v0;
	v1 =	vunpack.i.u.bf16.f32 v7  }
0x1a3: {  	v0 =	vld.idx.msk [tilespmem:v9+s4+$0x0], $0xffff;
	v5 =	vunpack.i.l.bf16.f32 v2;
	[tilespmem:s6+$0x180] =	vst v1  }
0x1a4: {  	v11 =	vunpack.i.u.bf16.f32 v2;
	v1 =	vld.idx.msk [tilespmem:v4+s4+$0x0], $0xffff;
	[tilespmem:s6+$0xFFFFFF00] =	vst v5  }
0x1a5: {  	v2 =	vunpack.i.u.bf16.f32 v3;
	v12 =	vunpack.i.l.bf16.f32 v6;
	v7 =	vunpack.i.l.bf16.f32 v7;
	v5 =	vld.idx.msk [tilespmem:v8+s4+$0x0], $0xffff;
	[tilespmem:s6+$0xFFFFFF80] =	vst v11  }
0x1a6: {  	s29 =	smov.u32 s6;
	s24 =	simm.s32 $0x4;
	v4 =	vunpack.i.l.bf16.f32 v3;
	v8 =	vunpack.i.u.bf16.f32 v6;
	v3 =	vld.idx.msk [tilespmem:v10+s4+$0x0], $0xffff;
	v6 =	vadd.s32 $0xFA0, v9;
	[tilespmem:s6+$0x0] =	vst v12  }
.LBB2_36:
0x1a7: {  	v9 =	vadd.s32 $0x3E8, v6;
	v10 =	vadd.s32 $0x7D0, v6;
	v11 =	vadd.s32 $0xBB8, v6;
	s24 =	sadd.s32 $0x4, s24;
	[tilespmem:s29+$0x80] =	vst v8  }
0x1a8: {  	p0 =	slt.u32 s24, $0x1C;
	[tilespmem:s29+$0x100] =	vst v7  }
0x1a9: {  	v8 =	vunpack.i.u.bf16.f32 v0;
	[tilespmem:s29+$0xFFFFFE00] =	vst v4;
	v4 =	vunpack.i.l.bf16.f32 v0  }
.Ltmp19:
0x1aa: {  	v12 =	vunpack.i.u.bf16.f32 v1;
	v7 =	vunpack.i.l.bf16.f32 v1;
	[tilespmem:s29+$0xFFFFFE80] =	vst v2;
	s29 =	sadd.s32 $0x1000, s29;
	v2 =	vmov v8;
	(pc) =	sbr.rel @p0 .LBB2_36-.Ltmp19, $4  }
0x1ab: {  	v13 =	vunpack.i.u.bf16.f32 v5;
	v5 =	vunpack.i.l.bf16.f32 v5;
	v0 =	vld.idx.msk [tilespmem:v6+s4+$0x0], $0xffff;
	[tilespmem:s29+$0x180] =	vst v12  }
0x1ac: {  	v8 =	vunpack.i.u.bf16.f32 v3;
	v1 =	vld.idx.msk [tilespmem:v11+s4+$0x0], $0xffff;
	[tilespmem:s29+$0xFFFFFF00] =	vst v5;
	v11 =	vunpack.i.l.bf16.f32 v3  }
0x1ad: {  	v5 =	vld.idx.msk [tilespmem:v9+s4+$0x0], $0xffff;
	[tilespmem:s29+$0xFFFFFF80] =	vst v13  }
0x1ae: {  	v6 =	vadd.s32 $0xFA0, v6;
	v3 =	vld.idx.msk [tilespmem:v10+s4+$0x0], $0xffff;
	[tilespmem:s29+$0x0] =	vst v11  }
0x1af: {  	v6 =	vld [tilespmem:s11+$0x7F60];
	_ =	sdelay $0x3  }
0x1b0: {  	[tilespmem:s29+$0x80] =	vst v8  }
0x1b1: {  	[tilespmem:s29+$0x100] =	vst v7;
	v7 =	vadd.s32 $0xBB8, v6  }
0x1b2: {  	[tilespmem:s29+$0xFFFFFE00] =	vst v4;
	v4 =	vadd.s32 $0x3E8, v6  }
0x1b3: {  	[tilespmem:s29+$0xFFFFFE80] =	vst v2;
	s24 =	sadd.s32 $0x1000, s29;
	v8 =	vunpack.i.u.bf16.f32 v1  }
0x1b4: {  	v1 =	vunpack.i.l.bf16.f32 v1;
	[tilespmem:s24+$0x180] =	vst v8;
	v8 =	vadd.s32 $0x7D0, v6  }
0x1b5: {  	v2 =	vunpack.i.l.bf16.f32 v5;
	[tilespmem:s24+$0x100] =	vst v1  }
0x1b6: {  	[tilespmem:s24+$0xFFFFFF00] =	vst v2;
	v2 =	vunpack.i.l.bf16.f32 v3;
	v7 =	vld.idx.msk [tilespmem:v7+s4+$0x0], $0xffff  }
0x1b7: {  	v3 =	vunpack.i.u.bf16.f32 v3;
	[tilespmem:s24+$0x0] =	vst v2;
	v9 =	vadd.s32 $0xFA0, v6;
	v2 =	vld.idx.msk [tilespmem:v4+s4+$0x0], $0xffff  }
0x1b8: {  	v5 =	vunpack.i.u.bf16.f32 v5;
	[tilespmem:s24+$0x80] =	vst v3;
	v3 =	vld.idx.msk [tilespmem:v6+s4+$0x0], $0xffff;
	v4 =	vadd.s32 $0xBB8, v9  }
0x1b9: {  	[tilespmem:s24+$0xFFFFFF80] =	vst v5;
	v5 =	vunpack.i.l.bf16.f32 v0;
	v6 =	vld.idx.msk [tilespmem:v8+s4+$0x0], $0xffff;
	v8 =	vadd.s32 $0x3E8, v9  }
0x1ba: {  	v0 =	vunpack.i.u.bf16.f32 v0;
	[tilespmem:s24+$0xFFFFFE00] =	vst v5;
	v10 =	vadd.s32 $0x7D0, v9  }
0x1bb: {  	[tilespmem:s24+$0xFFFFFE80] =	vst v0;
	v1 =	vunpack.i.u.bf16.f32 v7  }
0x1bc: {  	v0 =	vld.idx.msk [tilespmem:v9+s4+$0x0], $0xffff;
	v5 =	vunpack.i.l.bf16.f32 v2;
	[tilespmem:s8+$0x180] =	vst v1  }
0x1bd: {  	v11 =	vunpack.i.u.bf16.f32 v2;
	v1 =	vld.idx.msk [tilespmem:v4+s4+$0x0], $0xffff;
	[tilespmem:s8+$0xFFFFFF00] =	vst v5  }
0x1be: {  	v2 =	vunpack.i.u.bf16.f32 v3;
	v12 =	vunpack.i.l.bf16.f32 v6;
	v7 =	vunpack.i.l.bf16.f32 v7;
	v5 =	vld.idx.msk [tilespmem:v8+s4+$0x0], $0xffff;
	[tilespmem:s8+$0xFFFFFF80] =	vst v11  }
0x1bf: {  	s29 =	smov.u32 s8;
	s24 =	simm.s32 $0x4;
	v4 =	vunpack.i.l.bf16.f32 v3;
	v8 =	vunpack.i.u.bf16.f32 v6;
	v3 =	vld.idx.msk [tilespmem:v10+s4+$0x0], $0xffff;
	v6 =	vadd.s32 $0xFA0, v9;
	[tilespmem:s8+$0x0] =	vst v12  }
.LBB2_38:
0x1c0: {  	v9 =	vadd.s32 $0x3E8, v6;
	v10 =	vadd.s32 $0x7D0, v6;
	v11 =	vadd.s32 $0xBB8, v6;
	s24 =	sadd.s32 $0x4, s24;
	[tilespmem:s29+$0x80] =	vst v8  }
0x1c1: {  	p0 =	slt.u32 s24, $0x1C;
	[tilespmem:s29+$0x100] =	vst v7  }
0x1c2: {  	v8 =	vunpack.i.u.bf16.f32 v0;
	[tilespmem:s29+$0xFFFFFE00] =	vst v4;
	v4 =	vunpack.i.l.bf16.f32 v0  }
.Ltmp20:
0x1c3: {  	v12 =	vunpack.i.u.bf16.f32 v1;
	v7 =	vunpack.i.l.bf16.f32 v1;
	[tilespmem:s29+$0xFFFFFE80] =	vst v2;
	s29 =	sadd.s32 $0x1000, s29;
	v2 =	vmov v8;
	(pc) =	sbr.rel @p0 .LBB2_38-.Ltmp20, $4  }
0x1c4: {  	v13 =	vunpack.i.u.bf16.f32 v5;
	v5 =	vunpack.i.l.bf16.f32 v5;
	v0 =	vld.idx.msk [tilespmem:v6+s4+$0x0], $0xffff;
	[tilespmem:s29+$0x180] =	vst v12  }
0x1c5: {  	v8 =	vunpack.i.u.bf16.f32 v3;
	v1 =	vld.idx.msk [tilespmem:v11+s4+$0x0], $0xffff;
	[tilespmem:s29+$0xFFFFFF00] =	vst v5;
	v11 =	vunpack.i.l.bf16.f32 v3  }
0x1c6: {  	v5 =	vld.idx.msk [tilespmem:v9+s4+$0x0], $0xffff;
	[tilespmem:s29+$0xFFFFFF80] =	vst v13  }
0x1c7: {  	v6 =	vadd.s32 $0xFA0, v6;
	v3 =	vld.idx.msk [tilespmem:v10+s4+$0x0], $0xffff;
	[tilespmem:s29+$0x0] =	vst v11  }
0x1c8: {  	v6 =	vld [tilespmem:s11+$0x7F70];
	_ =	sdelay $0x3  }
0x1c9: {  	[tilespmem:s29+$0x80] =	vst v8  }
0x1ca: {  	[tilespmem:s29+$0x100] =	vst v7;
	v7 =	vadd.s32 $0xBB8, v6  }
0x1cb: {  	[tilespmem:s29+$0xFFFFFE00] =	vst v4;
	v4 =	vadd.s32 $0x3E8, v6  }
0x1cc: {  	[tilespmem:s29+$0xFFFFFE80] =	vst v2;
	s29 =	sadd.s32 $0x1000, s29;
	v8 =	vunpack.i.u.bf16.f32 v1  }
0x1cd: {  	v1 =	vunpack.i.l.bf16.f32 v1;
	[tilespmem:s29+$0x180] =	vst v8;
	v8 =	vadd.s32 $0x7D0, v6  }
0x1ce: {  	v2 =	vunpack.i.l.bf16.f32 v5;
	[tilespmem:s29+$0x100] =	vst v1  }
0x1cf: {  	[tilespmem:s29+$0xFFFFFF00] =	vst v2;
	v2 =	vunpack.i.l.bf16.f32 v3;
	v7 =	vld.idx.msk [tilespmem:v7+s4+$0x0], $0xffff  }
0x1d0: {  	v3 =	vunpack.i.u.bf16.f32 v3;
	[tilespmem:s29+$0x0] =	vst v2;
	v9 =	vadd.s32 $0xFA0, v6;
	v2 =	vld.idx.msk [tilespmem:v4+s4+$0x0], $0xffff  }
0x1d1: {  	v5 =	vunpack.i.u.bf16.f32 v5;
	[tilespmem:s29+$0x80] =	vst v3;
	v3 =	vld.idx.msk [tilespmem:v6+s4+$0x0], $0xffff;
	v4 =	vadd.s32 $0xBB8, v9  }
0x1d2: {  	[tilespmem:s29+$0xFFFFFF80] =	vst v5;
	v5 =	vunpack.i.l.bf16.f32 v0;
	v6 =	vld.idx.msk [tilespmem:v8+s4+$0x0], $0xffff;
	v8 =	vadd.s32 $0x3E8, v9  }
0x1d3: {  	v0 =	vunpack.i.u.bf16.f32 v0;
	[tilespmem:s29+$0xFFFFFE00] =	vst v5;
	v10 =	vadd.s32 $0x7D0, v9  }
0x1d4: {  	[tilespmem:s29+$0xFFFFFE80] =	vst v0;
	v1 =	vunpack.i.u.bf16.f32 v7  }
0x1d5: {  	v0 =	vld.idx.msk [tilespmem:v9+s4+$0x0], $0xffff;
	v5 =	vunpack.i.l.bf16.f32 v2;
	[tilespmem:s10+$0x180] =	vst v1  }
0x1d6: {  	v11 =	vunpack.i.u.bf16.f32 v2;
	v1 =	vld.idx.msk [tilespmem:v4+s4+$0x0], $0xffff;
	[tilespmem:s10+$0xFFFFFF00] =	vst v5  }
0x1d7: {  	v2 =	vunpack.i.u.bf16.f32 v3;
	v3 =	vunpack.i.l.bf16.f32 v3;
	v12 =	vunpack.i.l.bf16.f32 v6;
	v5 =	vld.idx.msk [tilespmem:v8+s4+$0x0], $0xffff;
	[tilespmem:s10+$0xFFFFFF80] =	vst v11  }
0x1d8: {  	s24 =	simm.s32 $0x4;
	s11 =	smov.u32 s10;
	v7 =	vunpack.i.l.bf16.f32 v7;
	v8 =	vunpack.i.u.bf16.f32 v6;
	v4 =	vld.idx.msk [tilespmem:v10+s4+$0x0], $0xffff;
	v6 =	vadd.s32 $0xFA0, v9;
	[tilespmem:s10+$0x0] =	vst v12  }
.LBB2_40:
0x1d9: {  	v9 =	vadd.s32 $0x3E8, v6;
	v10 =	vadd.s32 $0x7D0, v6;
	v11 =	vadd.s32 $0xBB8, v6;
	s24 =	sadd.s32 $0x4, s24;
	[tilespmem:s11+$0x80] =	vst v8  }
0x1da: {  	p0 =	slt.u32 s24, $0x1C;
	[tilespmem:s11+$0x100] =	vst v7  }
0x1db: {  	v8 =	vunpack.i.u.bf16.f32 v0;
	[tilespmem:s11+$0xFFFFFE00] =	vst v3;
	v3 =	vunpack.i.l.bf16.f32 v0  }
.Ltmp21:
0x1dc: {  	v12 =	vunpack.i.u.bf16.f32 v1;
	v7 =	vunpack.i.l.bf16.f32 v1;
	[tilespmem:s11+$0xFFFFFE80] =	vst v2;
	s11 =	sadd.s32 $0x1000, s11;
	v2 =	vmov v8;
	(pc) =	sbr.rel @p0 .LBB2_40-.Ltmp21, $4  }
0x1dd: {  	v13 =	vunpack.i.u.bf16.f32 v5;
	v5 =	vunpack.i.l.bf16.f32 v5;
	v0 =	vld.idx.msk [tilespmem:v6+s4+$0x0], $0xffff;
	[tilespmem:s11+$0x180] =	vst v12  }
0x1de: {  	v8 =	vunpack.i.u.bf16.f32 v4;
	v1 =	vld.idx.msk [tilespmem:v11+s4+$0x0], $0xffff;
	[tilespmem:s11+$0xFFFFFF00] =	vst v5;
	v11 =	vunpack.i.l.bf16.f32 v4  }
0x1df: {  	v5 =	vld.idx.msk [tilespmem:v9+s4+$0x0], $0xffff;
	[tilespmem:s11+$0xFFFFFF80] =	vst v13  }
0x1e0: {  	v6 =	vadd.s32 $0xFA0, v6;
	v4 =	vld.idx.msk [tilespmem:v10+s4+$0x0], $0xffff;
	[tilespmem:s11+$0x0] =	vst v11  }
0x1e1: {  	[tilespmem:s11+$0x80] =	vst v8  }
0x1e2: {  	[tilespmem:s11+$0x100] =	vst v7  }
0x1e3: {  	[tilespmem:s11+$0xFFFFFE00] =	vst v3  }
0x1e4: {  	[tilespmem:s11+$0xFFFFFE80] =	vst v2;
	s29 =	sadd.s32 $0x1000, s11;
	v62 =	vunpack.i.l.bf16.f32 v0  }
0x1e5: {  	v63 =	vunpack.i.u.bf16.f32 v0;
	[tilespmem:s29+$0xFFFFFE00] =	vst v62  }
0x1e6: {  	v56 =	vunpack.i.u.bf16.f32 v1;
	[tilespmem:s29+$0xFFFFFE80] =	vst v63  }
0x1e7: {  	p0 =	slt.u32 s7, $0x18;
	v61 =	vunpack.i.l.bf16.f32 v1;
	[tilespmem:s29+$0x180] =	vst v56  }
.Ltmp22:
0x1e8: {  	v57 =	vunpack.i.l.bf16.f32 v5;
	[tilespmem:s29+$0x100] =	vst v61;
	(pc) =	sbr.rel @p0 .LBB2_25-.Ltmp22, $4  }
0x1e9: {  	v58 =	vunpack.i.u.bf16.f32 v5;
	[tilespmem:s29+$0xFFFFFF00] =	vst v57  }
0x1ea: {  	s7 =	sadd.s32 $0x8, s7;
	s23 =	sadd.s32 $0x400, s23;
	s30 =	sadd.s32 $0x400, s30;
	v59 =	vunpack.i.l.bf16.f32 v4;
	[tilespmem:s29+$0xFFFFFF80] =	vst v58  }
0x1eb: {  	s31 =	sadd.s32 $0x400, s31;
	s0 =	sadd.s32 $0x400, s0;
	s1 =	sadd.s32 $0x400, s1;
	v60 =	vunpack.i.u.bf16.f32 v4;
	[tilespmem:s29+$0x0] =	vst v59  }
0x1ec: {  	s6 =	sadd.s32 $0x400, s6;
	s8 =	sadd.s32 $0x400, s8;
	s10 =	sadd.s32 $0x400, s10;
	[tilespmem:s29+$0x80] =	vst v60  }
0x1ed: {  	p0 =	seq.s32 s25, $0x18  }
.Ltmp23:
0x1ee: {  	_ = 	snop;
	(pc) =	sbr.rel @p0 .LBB2_44-.Ltmp23, $3  }
0x1ef: {  	_ =	sdelay $0x1  }
0x1f0: {  	s0 =	sadd.s32 s28, s9  }
0x1f1: {  	[hbm4b:s0+s17] =	stream.strided.scatter [tilespmem:s22], [sflag:$0x4], $0x8000, s18, s17, $0x38;
	[tilespmem:$0x18100] =	vst v63  }
0x1f2: {  	s0 =	sadd.s32 $0x3, s26  }
0x1f3: {  	s1 =	sshll.u32 s0, $0x7;
	s0 =	sshll.u32 s0, $0xE  }
0x1f4: {  	s1 =	sand.u32 $0x380, s1;
	s0 =	sand.u32 $0x1E0000, s0  }
.Ltmp24:
0x1f5: {  	s0 =	sor.u32 s0, s1;
	(pc) =	sbr.rel .LBB2_2-.Ltmp24, $4  }
0x1f6: {  	s0 =	sor.u32 s5, s0  }
0x1f7: {  	s0 =	sshrl.u32 s0, $0x3  }
0x1f8: {  	s25 =	sadd.s32 $0x1, s25;
	s0 =	sadd.s32 s2, s0  }
0x1f9: {  	[tilespmem:s15], [sflag:$0x2] =	stream.strided.gather [hbm4b:s0+s12], $0x200, s13, s12, $0x38;
	[tilespmem:$0x18100] =	vst v63  }
.LBB2_45:
0x1fa: {  	_ =	sfence.sel $0x180000  }
0x1fb: {  	[bflag:$0x0] =	sbarrier.arrive $0xFFFF  }
0x1fc: {  	_ =	strace $0x90000047  }
0x1fd: {  	s0 =	stileid.u32;
	[bflag:$0x2] =	sbarrier.arrive $0xFFFF  }
0x1fe: {  	p0 =	sne.s32 s0, $0x0;
	s0 =	rddreg [dreg:$0x3]  }
0x1ff: {  	s0 =	sadd.s32 @!p0 $0x100000, s0  }
0x200: {  	[sflag:s0] =	ssyncadd.tile.s32 @!p0 $0x1;
	_ =	shalt  }
.Lfunc_end2:
_tile_overlayer_lowered:
.L_overlay_start_2:
0x201: {  	(tag) =	ssettag $0x2  }
0x202: {  	s0 =	rddreg [dreg:$0x0];
	s2 =	stileid.u32  }
0x203: {  	s1 =	rddreg [dreg:$0x1];
	p0 =	sne.s32 s2, $0x0  }
0x204: {  	s3 =	rddreg [dreg:$0x2];
	[bflag:$0x3] =	sbarrier.arrive $0xFFFF;
	s2 =	simm.s32 @!p0 $0x1C05  }
0x205: {  	[timem:s3], [sflag:s2] =	dma.local @!p0 [hbm:s0], s1  }
0x206: {  	s0 =	simm.s32 @!p0 $0x5  }
0x207: {  	_ =	swait.ge @!p0 [sflag:s0], s1  }
0x208: {  	s1 =	ssub.s32 @!p0 $0x0, s1;
	[sflag:s0] =	ssyncset.done @!p0 $0x0  }
0x209: {  	[sflag:s0] =	ssyncadd.s32 @!p0 s1  }
0x20a: {  	[bflag:$0x3] =	sbarrier.arrive $0xFFFF  }
0x20b: {  	_ =	shalt  }

</sc_bundles>
